<compile_context>
chip_gen: v7x
topology: tpu7x:2x2x1
jax: 0.10.2.dev20260603
libtpu: 0.0.44.dev20260713+nightly
codegen_flags: <defaults>
</compile_context>

<pallas_src>
import functools

import jax
import jax.numpy as jnp
from jax import lax
from jax.experimental import pallas as pl
from jax.experimental.pallas import tpu as pltpu
from jax.experimental.pallas import tpu_sc as plsc

_NC = 2
_NS = 16
_NW = _NC * _NS
_CW = 128
_K = 5


def _sc_gather(W, idx_flat):
    n = idx_flat.shape[0]
    E = W.shape[1]
    tok = n // _NW
    nwin = tok // _CW
    ngrp = nwin // _K
    mesh = plsc.VectorSubcoreMesh(core_axis_name="core",
                                  subcore_axis_name="subcore")

    @functools.partial(
        pl.kernel,
        out_type=jax.ShapeDtypeStruct((n, E), W.dtype),
        mesh=mesh,
        scratch_types=[
            pltpu.VMEM((tok,), jnp.int32),
            pltpu.VMEM((2, _K, _CW, E), W.dtype),
            pltpu.SemaphoreType.DMA,
            pltpu.SemaphoreType.DMA,
            pltpu.SemaphoreType.DMA,
        ],
        compiler_params=pltpu.CompilerParams(use_tc_tiling_on_sc=False),
    )
    def gather_kernel(w_hbm, i_hbm, o_hbm, idx_v, rows, sem_g, sem_o0, sem_o1):
        wid = lax.axis_index("subcore") * _NC + lax.axis_index("core")
        base = wid * tok
        pltpu.sync_copy(i_hbm.at[pl.ds(base, tok)], idx_v)
        sem_o = (sem_o0, sem_o1)

        @pl.loop(0, ngrp, step=2)
        def _(g):
            for p in (0, 1):
                gg = g + p
                @pl.when(gg >= 2)
                def _():
                    prev = jnp.maximum(gg - 2, 0)
                    for b in range(_K):
                        off = base + (prev * _K + b) * _CW
                        pltpu.make_async_copy(
                            rows.at[p, b], o_hbm.at[pl.ds(off, _CW)],
                            sem_o[p]).wait()

                for b in range(_K):
                    woff = (gg * _K + b) * _CW
                    pltpu.async_copy(
                        w_hbm.at[idx_v.at[pl.ds(woff, _CW)]],
                        rows.at[p, b], sem_g)
                for b in range(_K):
                    woff = (gg * _K + b) * _CW
                    pltpu.make_async_copy(
                        w_hbm.at[idx_v.at[pl.ds(woff, _CW)]],
                        rows.at[p, b], sem_g).wait()
                for b in range(_K):
                    off = base + ((gg * _K + b) * _CW)
                    pltpu.async_copy(rows.at[p, b],
                                     o_hbm.at[pl.ds(off, _CW)], sem_o[p])

        for p in (0, 1):
            prev = ngrp - 2 + p
            for b in range(_K):
                off = base + (prev * _K + b) * _CW
                pltpu.make_async_copy(
                    rows.at[p, b], o_hbm.at[pl.ds(off, _CW)], sem_o[p]).wait()

    return gather_kernel(W, idx_flat)


_IB = 8


def _mask_t(iv_t):
    L, B = iv_t.shape

    def body(iv_ref, out_ref):
        pad = iv_ref[...] != 0
        i0 = pl.program_id(0) * _IB
        row_i = i0 + lax.broadcasted_iota(jnp.int32, (1, _IB, L, B), 1)
        col_j = lax.broadcasted_iota(jnp.int32, (1, _IB, L, B), 2)
        out_ref[...] = pad[None, None, :, :] & (col_j <= row_i)

    return pl.pallas_call(
        body,
        grid=(L // _IB,),
        in_specs=[pl.BlockSpec((L, B), lambda i: (0, 0))],
        out_specs=pl.BlockSpec((1, _IB, L, B), lambda i: (0, i, 0, 0)),
        out_shape=jax.ShapeDtypeStruct((1, L, L, B), jnp.bool_),
    )(iv_t)


def kernel(input_var, W):
    B, L = input_var.shape
    E = W.shape[1]
    mask_t = _mask_t(input_var.T)
    tgt_mask = jnp.transpose(mask_t, (3, 0, 1, 2))
    G = _sc_gather(W, input_var.reshape(B * L))
    embedded = G.reshape(B, L, E)
    return (embedded, tgt_mask)

# --- scband reference (transcript-rebuilt; emitter-appended) ---
"""Pipeline reference for scband-trg-embedding-layer-68006512165199 (READ-ONLY COPY).

The authoritative reference and input builder live on the scoring server;
editing this copy changes nothing except your own understanding.
"""

import jax, jax.numpy as jnp
import numpy as np

W_VOCAB = 1000000
EMBED = 64
B = 1024
L = 200

def setup_inputs(seed: int = 0) -> dict:
    key = jax.random.key(seed)
    k1, k2 = jax.random.split(key)
    input_var = jax.random.randint(k1, (B, L), 0, W_VOCAB, dtype=jnp.int32)
    W = jax.random.normal(k2, (W_VOCAB, EMBED), dtype=jnp.float32)
    return {"input_var": input_var, "W": W}

def reference(input_var, W):
    # make_trg_mask
    batch_size, max_word = input_var.shape
    trg_pad_mask = (input_var != 0)[:, None, None, :]  # [B,1,1,L]
    trg_sub_mask = jnp.tril(jnp.ones((max_word, max_word), dtype=jnp.uint8)).astype(bool)  # [L,L]
    tgt_mask = jnp.logical_and(trg_pad_mask, trg_sub_mask)  # [B,1,L,L]
    # word-embedding path (model_type='word'); dropout p=0.0 -> identity
    embedded = jnp.take(W, input_var, axis=0)  # [B,L,E]
    embedded = embedded.reshape(-1, max_word, EMBED)
    return (embedded, tgt_mask)

if __name__ == "__main__":
    import jax
    _d = setup_inputs()
    print(jax.jit(kernel)(*tuple(_d.values())))

</pallas_src>

<mosaic_0001>
#map = affine_map<(d0, d1) -> (0, 0)>
#map1 = affine_map<(d0, d1) -> (0)>
module attributes {stable_mosaic.version = 14 : i64} {
  func.func @gather_kernel(%arg0: i32, %arg1: i32, %arg2: memref<1000000x64xf32, #tpu.memory_space<hbm>>, %arg3: memref<204800xi32, #tpu.memory_space<hbm>>, %arg4: memref<204800x64xf32, #tpu.memory_space<hbm>>, %arg5: memref<6400xi32, #tpu.memory_space<vmem>>, %arg6: memref<2x5x128x64xf32, #tpu.memory_space<vmem>>, %arg7: memref<!tpu.dma_semaphore, #tpu.memory_space<semaphore_mem>>, %arg8: memref<!tpu.dma_semaphore, #tpu.memory_space<semaphore_mem>>, %arg9: memref<!tpu.dma_semaphore, #tpu.memory_space<semaphore_mem>>) attributes {dimension_semantics = [#tpu.dimension_semantics<core_parallel>, #tpu.dimension_semantics<subcore_parallel>], iteration_bounds = array<i64: 2, 16>, scalar_prefetch = 0 : i64, scratch_operands = 5 : i64, tpu.core_type = #tpu.core_type<sc_vector_subcore>, window_params = [{transform_indices = #map}, {transform_indices = #map1}, {transform_indices = #map}]} {
    %mul3A = arith.constant 2 : i32
    %mul3A_0 = arith.muli %arg1, %mul3A : i32
    %add3A = arith.addi %mul3A_0, %arg0 : i32
    %mul3A_1 = arith.constant 6400 : i32
    %mul3A_2 = arith.muli %add3A, %mul3A_1 : i32
    "tpu.region"() ({
      %run_scoped3A = tpu.sem_alloc : memref<!tpu.dma_semaphore, #tpu.memory_space<semaphore_mem>>
      %dma_start3A = tpu.memref_slice %arg3[%mul3A_2] : memref<204800xi32, #tpu.memory_space<hbm>> -> memref<6400xi32, #tpu.memory_space<hbm>>
      %dma_start3A_166 = tpu.memref_slice %arg3[%mul3A_2] : memref<204800xi32, #tpu.memory_space<hbm>> -> memref<6400xi32, #tpu.memory_space<hbm>>
      tpu.enqueue_dma source(%dma_start3A_166 : memref<6400xi32, #tpu.memory_space<hbm>>) target(%arg5 : memref<6400xi32, #tpu.memory_space<vmem>>) target_semaphore(%run_scoped3A : memref<!tpu.dma_semaphore, #tpu.memory_space<semaphore_mem>>)
      %dma_wait3A_167 = tpu.memref_slice %arg3[%mul3A_2] : memref<204800xi32, #tpu.memory_space<hbm>> -> memref<6400xi32, #tpu.memory_space<hbm>>
      %dma_wait3A_168 = tpu.memref_slice %arg3[%mul3A_2] : memref<204800xi32, #tpu.memory_space<hbm>> -> memref<6400xi32, #tpu.memory_space<hbm>>
      tpu.wait_dma2 semaphore(%run_scoped3A : memref<!tpu.dma_semaphore, #tpu.memory_space<semaphore_mem>>) src(%dma_wait3A_168 : memref<6400xi32, #tpu.memory_space<hbm>>) dst(%arg5 : memref<6400xi32, #tpu.memory_space<vmem>>)
      tpu.yield
    }) : () -> ()
    %scan3A = arith.constant 0 : i32
    %scan3A_3 = arith.constant 5 : i32
    %scan3A_4 = arith.addi %scan3A, %scan3A_3 : i32
    %scan3A_5 = arith.constant 1 : i32
    scf.for %scan3A_166 = %scan3A to %scan3A_4 step %scan3A_5  : i32 {
      %mul3A_167 = arith.constant 2 : i32
      %mul3A_168 = arith.muli %scan3A_166, %mul3A_167 : i32
      %add3A_169 = arith.constant 0 : i32
      %add3A_170 = arith.addi %add3A_169, %mul3A_168 : i32
      %add3A_171 = arith.constant 0 : i32
      %add3A_172 = arith.addi %add3A_170, %add3A_171 : i32
      %ge3A = arith.constant 2 : i32
      %ge3A_173 = arith.cmpi sge, %add3A_172, %ge3A : i32
      %convert_element_type3A = arith.extui %ge3A_173 : i1 to i32
      %cond3A = arith.constant 0 : i32
      %cond3A_174 = arith.cmpi ne, %convert_element_type3A, %cond3A : i32
      scf.if %cond3A_174 {
        %sub3A = arith.constant 2 : i32
        %sub3A_711 = arith.subi %add3A_172, %sub3A : i32
        %max3A = arith.constant 0 : i32
        %max3A_712 = arith.maxsi %sub3A_711, %max3A : i32
        %mul3A_713 = arith.constant 5 : i32
        %mul3A_714 = arith.muli %max3A_712, %mul3A_713 : i32
        %add3A_715 = arith.constant 0 : i32
        %add3A_716 = arith.addi %mul3A_714, %add3A_715 : i32
        %mul3A_717 = arith.constant 128 : i32
        %mul3A_718 = arith.muli %add3A_716, %mul3A_717 : i32
        %add3A_719 = arith.addi %mul3A_2, %mul3A_718 : i32
        %dma_wait3A_720 = arith.constant 0 : i32
        %dma_wait3A_721 = arith.constant 0 : i32
        %dma_wait3A_722 = arith.constant 0 : i32
        %dma_wait3A_723 = arith.constant 0 : i32
        %dma_wait3A_724 = tpu.memref_slice %arg6[%dma_wait3A_720, %dma_wait3A_721, %dma_wait3A_722, %dma_wait3A_723] : memref<2x5x128x64xf32, #tpu.memory_space<vmem>> -> memref<1x1x128x64xf32, #tpu.memory_space<vmem>>
        %dma_wait3A_725 = tpu.memref_squeeze %dma_wait3A_724 : memref<1x1x128x64xf32, #tpu.memory_space<vmem>> -> memref<128x64xf32, #tpu.memory_space<vmem>>
        %dma_wait3A_726 = arith.constant 0 : i32
        %dma_wait3A_727 = tpu.memref_slice %arg4[%add3A_719, %dma_wait3A_726] : memref<204800x64xf32, #tpu.memory_space<hbm>> -> memref<128x64xf32, #tpu.memory_space<hbm>>
        %dma_wait3A_728 = arith.constant 0 : i32
        %dma_wait3A_729 = tpu.memref_slice %arg4[%add3A_719, %dma_wait3A_728] : memref<204800x64xf32, #tpu.memory_space<hbm>> -> memref<128x64xf32, #tpu.memory_space<hbm>>
        %dma_wait3A_730 = arith.constant 0 : i32
        %dma_wait3A_731 = arith.constant 0 : i32
        %dma_wait3A_732 = tpu.memref_slice %arg6[%dma_wait3A_720, %dma_wait3A_721, %dma_wait3A_730, %dma_wait3A_731] : memref<2x5x128x64xf32, #tpu.memory_space<vmem>> -> memref<1x1x128x64xf32, #tpu.memory_space<vmem>>
        %dma_wait3A_733 = tpu.memref_squeeze %dma_wait3A_732 : memref<1x1x128x64xf32, #tpu.memory_space<vmem>> -> memref<128x64xf32, #tpu.memory_space<vmem>>
        tpu.wait_dma2 semaphore(%arg8 : memref<!tpu.dma_semaphore, #tpu.memory_space<semaphore_mem>>) src(%dma_wait3A_733 : memref<128x64xf32, #tpu.memory_space<vmem>>) dst(%dma_wait3A_729 : memref<128x64xf32, #tpu.memory_space<hbm>>)
        %mul3A_734 = arith.constant 5 : i32
        %mul3A_735 = arith.muli %max3A_712, %mul3A_734 : i32
        %add3A_736 = arith.constant 1 : i32
        %add3A_737 = arith.addi %mul3A_735, %add3A_736 : i32
        %mul3A_738 = arith.constant 128 : i32
        %mul3A_739 = arith.muli %add3A_737, %mul3A_738 : i32
        %add3A_740 = arith.addi %mul3A_2, %mul3A_739 : i32
        %dma_wait3A_741 = arith.constant 0 : i32
        %dma_wait3A_742 = arith.constant 1 : i32
        %dma_wait3A_743 = arith.constant 0 : i32
        %dma_wait3A_744 = arith.constant 0 : i32
        %dma_wait3A_745 = tpu.memref_slice %arg6[%dma_wait3A_741, %dma_wait3A_742, %dma_wait3A_743, %dma_wait3A_744] : memref<2x5x128x64xf32, #tpu.memory_space<vmem>> -> memref<1x1x128x64xf32, #tpu.memory_space<vmem>>
        %dma_wait3A_746 = tpu.memref_squeeze %dma_wait3A_745 : memref<1x1x128x64xf32, #tpu.memory_space<vmem>> -> memref<128x64xf32, #tpu.memory_space<vmem>>
        %dma_wait3A_747 = arith.constant 0 : i32
        %dma_wait3A_748 = tpu.memref_slice %arg4[%add3A_740, %dma_wait3A_747] : memref<204800x64xf32, #tpu.memory_space<hbm>> -> memref<128x64xf32, #tpu.memory_space<hbm>>
        %dma_wait3A_749 = arith.constant 0 : i32
        %dma_wait3A_750 = tpu.memref_slice %arg4[%add3A_740, %dma_wait3A_749] : memref<204800x64xf32, #tpu.memory_space<hbm>> -> memref<128x64xf32, #tpu.memory_space<hbm>>
        %dma_wait3A_751 = arith.constant 0 : i32
        %dma_wait3A_752 = arith.constant 0 : i32
        %dma_wait3A_753 = tpu.memref_slice %arg6[%dma_wait3A_741, %dma_wait3A_742, %dma_wait3A_751, %dma_wait3A_752] : memref<2x5x128x64xf32, #tpu.memory_space<vmem>> -> memref<1x1x128x64xf32, #tpu.memory_space<vmem>>
        %dma_wait3A_754 = tpu.memref_squeeze %dma_wait3A_753 : memref<1x1x128x64xf32, #tpu.memory_space<vmem>> -> memref<128x64xf32, #tpu.memory_space<vmem>>
        tpu.wait_dma2 semaphore(%arg8 : memref<!tpu.dma_semaphore, #tpu.memory_space<semaphore_mem>>) src(%dma_wait3A_754 : memref<128x64xf32, #tpu.memory_space<vmem>>) dst(%dma_wait3A_750 : memref<128x64xf32, #tpu.memory_space<hbm>>)
        %mul3A_755 = arith.constant 5 : i32
        %mul3A_756 = arith.muli %max3A_712, %mul3A_755 : i32
        %add3A_757 = arith.constant 2 : i32
        %add3A_758 = arith.addi %mul3A_756, %add3A_757 : i32
        %mul3A_759 = arith.constant 128 : i32
        %mul3A_760 = arith.muli %add3A_758, %mul3A_759 : i32
        %add3A_761 = arith.addi %mul3A_2, %mul3A_760 : i32
        %dma_wait3A_762 = arith.constant 0 : i32
        %dma_wait3A_763 = arith.constant 2 : i32
        %dma_wait3A_764 = arith.constant 0 : i32
        %dma_wait3A_765 = arith.constant 0 : i32
        %dma_wait3A_766 = tpu.memref_slice %arg6[%dma_wait3A_762, %dma_wait3A_763, %dma_wait3A_764, %dma_wait3A_765] : memref<2x5x128x64xf32, #tpu.memory_space<vmem>> -> memref<1x1x128x64xf32, #tpu.memory_space<vmem>>
        %dma_wait3A_767 = tpu.memref_squeeze %dma_wait3A_766 : memref<1x1x128x64xf32, #tpu.memory_space<vmem>> -> memref<128x64xf32, #tpu.memory_space<vmem>>
        %dma_wait3A_768 = arith.constant 0 : i32
        %dma_wait3A_769 = tpu.memref_slice %arg4[%add3A_761, %dma_wait3A_768] : memref<204800x64xf32, #tpu.memory_space<hbm>> -> memref<128x64xf32, #tpu.memory_space<hbm>>
        %dma_wait3A_770 = arith.constant 0 : i32
        %dma_wait3A_771 = tpu.memref_slice %arg4[%add3A_761, %dma_wait3A_770] : memref<204800x64xf32, #tpu.memory_space<hbm>> -> memref<128x64xf32, #tpu.memory_space<hbm>>
        %dma_wait3A_772 = arith.constant 0 : i32
        %dma_wait3A_773 = arith.constant 0 : i32
        %dma_wait3A_774 = tpu.memref_slice %arg6[%dma_wait3A_762, %dma_wait3A_763, %dma_wait3A_772, %dma_wait3A_773] : memref<2x5x128x64xf32, #tpu.memory_space<vmem>> -> memref<1x1x128x64xf32, #tpu.memory_space<vmem>>
        %dma_wait3A_775 = tpu.memref_squeeze %dma_wait3A_774 : memref<1x1x128x64xf32, #tpu.memory_space<vmem>> -> memref<128x64xf32, #tpu.memory_space<vmem>>
        tpu.wait_dma2 semaphore(%arg8 : memref<!tpu.dma_semaphore, #tpu.memory_space<semaphore_mem>>) src(%dma_wait3A_775 : memref<128x64xf32, #tpu.memory_space<vmem>>) dst(%dma_wait3A_771 : memref<128x64xf32, #tpu.memory_space<hbm>>)
        %mul3A_776 = arith.constant 5 : i32
        %mul3A_777 = arith.muli %max3A_712, %mul3A_776 : i32
        %add3A_778 = arith.constant 3 : i32
        %add3A_779 = arith.addi %mul3A_777, %add3A_778 : i32
        %mul3A_780 = arith.constant 128 : i32
        %mul3A_781 = arith.muli %add3A_779, %mul3A_780 : i32
        %add3A_782 = arith.addi %mul3A_2, %mul3A_781 : i32
        %dma_wait3A_783 = arith.constant 0 : i32
        %dma_wait3A_784 = arith.constant 3 : i32
        %dma_wait3A_785 = arith.constant 0 : i32
        %dma_wait3A_786 = arith.constant 0 : i32
        %dma_wait3A_787 = tpu.memref_slice %arg6[%dma_wait3A_783, %dma_wait3A_784, %dma_wait3A_785, %dma_wait3A_786] : memref<2x5x128x64xf32, #tpu.memory_space<vmem>> -> memref<1x1x128x64xf32, #tpu.memory_space<vmem>>
        %dma_wait3A_788 = tpu.memref_squeeze %dma_wait3A_787 : memref<1x1x128x64xf32, #tpu.memory_space<vmem>> -> memref<128x64xf32, #tpu.memory_space<vmem>>
        %dma_wait3A_789 = arith.constant 0 : i32
        %dma_wait3A_790 = tpu.memref_slice %arg4[%add3A_782, %dma_wait3A_789] : memref<204800x64xf32, #tpu.memory_space<hbm>> -> memref<128x64xf32, #tpu.memory_space<hbm>>
        %dma_wait3A_791 = arith.constant 0 : i32
        %dma_wait3A_792 = tpu.memref_slice %arg4[%add3A_782, %dma_wait3A_791] : memref<204800x64xf32, #tpu.memory_space<hbm>> -> memref<128x64xf32, #tpu.memory_space<hbm>>
        %dma_wait3A_793 = arith.constant 0 : i32
        %dma_wait3A_794 = arith.constant 0 : i32
        %dma_wait3A_795 = tpu.memref_slice %arg6[%dma_wait3A_783, %dma_wait3A_784, %dma_wait3A_793, %dma_wait3A_794] : memref<2x5x128x64xf32, #tpu.memory_space<vmem>> -> memref<1x1x128x64xf32, #tpu.memory_space<vmem>>
        %dma_wait3A_796 = tpu.memref_squeeze %dma_wait3A_795 : memref<1x1x128x64xf32, #tpu.memory_space<vmem>> -> memref<128x64xf32, #tpu.memory_space<vmem>>
        tpu.wait_dma2 semaphore(%arg8 : memref<!tpu.dma_semaphore, #tpu.memory_space<semaphore_mem>>) src(%dma_wait3A_796 : memref<128x64xf32, #tpu.memory_space<vmem>>) dst(%dma_wait3A_792 : memref<128x64xf32, #tpu.memory_space<hbm>>)
        %mul3A_797 = arith.constant 5 : i32
        %mul3A_798 = arith.muli %max3A_712, %mul3A_797 : i32
        %add3A_799 = arith.constant 4 : i32
        %add3A_800 = arith.addi %mul3A_798, %add3A_799 : i32
        %mul3A_801 = arith.constant 128 : i32
        %mul3A_802 = arith.muli %add3A_800, %mul3A_801 : i32
        %add3A_803 = arith.addi %mul3A_2, %mul3A_802 : i32
        %dma_wait3A_804 = arith.constant 0 : i32
        %dma_wait3A_805 = arith.constant 4 : i32
        %dma_wait3A_806 = arith.constant 0 : i32
        %dma_wait3A_807 = arith.constant 0 : i32
        %dma_wait3A_808 = tpu.memref_slice %arg6[%dma_wait3A_804, %dma_wait3A_805, %dma_wait3A_806, %dma_wait3A_807] : memref<2x5x128x64xf32, #tpu.memory_space<vmem>> -> memref<1x1x128x64xf32, #tpu.memory_space<vmem>>
        %dma_wait3A_809 = tpu.memref_squeeze %dma_wait3A_808 : memref<1x1x128x64xf32, #tpu.memory_space<vmem>> -> memref<128x64xf32, #tpu.memory_space<vmem>>
        %dma_wait3A_810 = arith.constant 0 : i32
        %dma_wait3A_811 = tpu.memref_slice %arg4[%add3A_803, %dma_wait3A_810] : memref<204800x64xf32, #tpu.memory_space<hbm>> -> memref<128x64xf32, #tpu.memory_space<hbm>>
        %dma_wait3A_812 = arith.constant 0 : i32
        %dma_wait3A_813 = tpu.memref_slice %arg4[%add3A_803, %dma_wait3A_812] : memref<204800x64xf32, #tpu.memory_space<hbm>> -> memref<128x64xf32, #tpu.memory_space<hbm>>
        %dma_wait3A_814 = arith.constant 0 : i32
        %dma_wait3A_815 = arith.constant 0 : i32
        %dma_wait3A_816 = tpu.memref_slice %arg6[%dma_wait3A_804, %dma_wait3A_805, %dma_wait3A_814, %dma_wait3A_815] : memref<2x5x128x64xf32, #tpu.memory_space<vmem>> -> memref<1x1x128x64xf32, #tpu.memory_space<vmem>>
        %dma_wait3A_817 = tpu.memref_squeeze %dma_wait3A_816 : memref<1x1x128x64xf32, #tpu.memory_space<vmem>> -> memref<128x64xf32, #tpu.memory_space<vmem>>
        tpu.wait_dma2 semaphore(%arg8 : memref<!tpu.dma_semaphore, #tpu.memory_space<semaphore_mem>>) src(%dma_wait3A_817 : memref<128x64xf32, #tpu.memory_space<vmem>>) dst(%dma_wait3A_813 : memref<128x64xf32, #tpu.memory_space<hbm>>)
      } else {
      }
      %mul3A_175 = arith.constant 5 : i32
      %mul3A_176 = arith.muli %add3A_172, %mul3A_175 : i32
      %add3A_177 = arith.constant 0 : i32
      %add3A_178 = arith.addi %mul3A_176, %add3A_177 : i32
      %mul3A_179 = arith.constant 128 : i32
      %mul3A_180 = arith.muli %add3A_178, %mul3A_179 : i32
      %dma_start3A = arith.constant 0 : i32
      %dma_start3A_181 = arith.constant 0 : i32
      %dma_start3A_182 = arith.constant 0 : i32
      %dma_start3A_183 = arith.constant 0 : i32
      %dma_start3A_184 = tpu.memref_slice %arg6[%dma_start3A, %dma_start3A_181, %dma_start3A_182, %dma_start3A_183] : memref<2x5x128x64xf32, #tpu.memory_space<vmem>> -> memref<1x1x128x64xf32, #tpu.memory_space<vmem>>
      %dma_start3A_185 = tpu.memref_squeeze %dma_start3A_184 : memref<1x1x128x64xf32, #tpu.memory_space<vmem>> -> memref<128x64xf32, #tpu.memory_space<vmem>>
      %dma_start3A_186 = tpu.memref_slice %arg5[%mul3A_180] : memref<6400xi32, #tpu.memory_space<vmem>> -> memref<128xi32, #tpu.memory_space<vmem>>
      %dma_start3A_187 = arith.constant 0 : i32
      %dma_start3A_188 = arith.constant 0 : i32
      %dma_start3A_189 = tpu.memref_slice %arg2[%dma_start3A_187, %dma_start3A_188] : memref<1000000x64xf32, #tpu.memory_space<hbm>> -> memref<1000000x64xf32, #tpu.memory_space<hbm>>
      tpu.enqueue_indirect_dma source(%dma_start3A_189 : memref<1000000x64xf32, #tpu.memory_space<hbm>>) target(%dma_start3A_185 : memref<128x64xf32, #tpu.memory_space<vmem>>) offsets(%dma_start3A_186 : memref<128xi32, #tpu.memory_space<vmem>>) semaphore(%arg7 : memref<!tpu.dma_semaphore, #tpu.memory_space<semaphore_mem>>)
      %mul3A_190 = arith.constant 5 : i32
      %mul3A_191 = arith.muli %add3A_172, %mul3A_190 : i32
      %add3A_192 = arith.constant 1 : i32
      %add3A_193 = arith.addi %mul3A_191, %add3A_192 : i32
      %mul3A_194 = arith.constant 128 : i32
      %mul3A_195 = arith.muli %add3A_193, %mul3A_194 : i32
      %dma_start3A_196 = arith.constant 0 : i32
      %dma_start3A_197 = arith.constant 1 : i32
      %dma_start3A_198 = arith.constant 0 : i32
      %dma_start3A_199 = arith.constant 0 : i32
      %dma_start3A_200 = tpu.memref_slice %arg6[%dma_start3A_196, %dma_start3A_197, %dma_start3A_198, %dma_start3A_199] : memref<2x5x128x64xf32, #tpu.memory_space<vmem>> -> memref<1x1x128x64xf32, #tpu.memory_space<vmem>>
      %dma_start3A_201 = tpu.memref_squeeze %dma_start3A_200 : memref<1x1x128x64xf32, #tpu.memory_space<vmem>> -> memref<128x64xf32, #tpu.memory_space<vmem>>
      %dma_start3A_202 = tpu.memref_slice %arg5[%mul3A_195] : memref<6400xi32, #tpu.memory_space<vmem>> -> memref<128xi32, #tpu.memory_space<vmem>>
      %dma_start3A_203 = arith.constant 0 : i32
      %dma_start3A_204 = arith.constant 0 : i32
      %dma_start3A_205 = tpu.memref_slice %arg2[%dma_start3A_203, %dma_start3A_204] : memref<1000000x64xf32, #tpu.memory_space<hbm>> -> memref<1000000x64xf32, #tpu.memory_space<hbm>>
      tpu.enqueue_indirect_dma source(%dma_start3A_205 : memref<1000000x64xf32, #tpu.memory_space<hbm>>) target(%dma_start3A_201 : memref<128x64xf32, #tpu.memory_space<vmem>>) offsets(%dma_start3A_202 : memref<128xi32, #tpu.memory_space<vmem>>) semaphore(%arg7 : memref<!tpu.dma_semaphore, #tpu.memory_space<semaphore_mem>>)
      %mul3A_206 = arith.constant 5 : i32
      %mul3A_207 = arith.muli %add3A_172, %mul3A_206 : i32
      %add3A_208 = arith.constant 2 : i32
      %add3A_209 = arith.addi %mul3A_207, %add3A_208 : i32
      %mul3A_210 = arith.constant 128 : i32
      %mul3A_211 = arith.muli %add3A_209, %mul3A_210 : i32
      %dma_start3A_212 = arith.constant 0 : i32
      %dma_start3A_213 = arith.constant 2 : i32
      %dma_start3A_214 = arith.constant 0 : i32
      %dma_start3A_215 = arith.constant 0 : i32
      %dma_start3A_216 = tpu.memref_slice %arg6[%dma_start3A_212, %dma_start3A_213, %dma_start3A_214, %dma_start3A_215] : memref<2x5x128x64xf32, #tpu.memory_space<vmem>> -> memref<1x1x128x64xf32, #tpu.memory_space<vmem>>
      %dma_start3A_217 = tpu.memref_squeeze %dma_start3A_216 : memref<1x1x128x64xf32, #tpu.memory_space<vmem>> -> memref<128x64xf32, #tpu.memory_space<vmem>>
      %dma_start3A_218 = tpu.memref_slice %arg5[%mul3A_211] : memref<6400xi32, #tpu.memory_space<vmem>> -> memref<128xi32, #tpu.memory_space<vmem>>
      %dma_start3A_219 = arith.constant 0 : i32
      %dma_start3A_220 = arith.constant 0 : i32
      %dma_start3A_221 = tpu.memref_slice %arg2[%dma_start3A_219, %dma_start3A_220] : memref<1000000x64xf32, #tpu.memory_space<hbm>> -> memref<1000000x64xf32, #tpu.memory_space<hbm>>
      tpu.enqueue_indirect_dma source(%dma_start3A_221 : memref<1000000x64xf32, #tpu.memory_space<hbm>>) target(%dma_start3A_217 : memref<128x64xf32, #tpu.memory_space<vmem>>) offsets(%dma_start3A_218 : memref<128xi32, #tpu.memory_space<vmem>>) semaphore(%arg7 : memref<!tpu.dma_semaphore, #tpu.memory_space<semaphore_mem>>)
      %mul3A_222 = arith.constant 5 : i32
      %mul3A_223 = arith.muli %add3A_172, %mul3A_222 : i32
      %add3A_224 = arith.constant 3 : i32
      %add3A_225 = arith.addi %mul3A_223, %add3A_224 : i32
      %mul3A_226 = arith.constant 128 : i32
      %mul3A_227 = arith.muli %add3A_225, %mul3A_226 : i32
      %dma_start3A_228 = arith.constant 0 : i32
      %dma_start3A_229 = arith.constant 3 : i32
      %dma_start3A_230 = arith.constant 0 : i32
      %dma_start3A_231 = arith.constant 0 : i32
      %dma_start3A_232 = tpu.memref_slice %arg6[%dma_start3A_228, %dma_start3A_229, %dma_start3A_230, %dma_start3A_231] : memref<2x5x128x64xf32, #tpu.memory_space<vmem>> -> memref<1x1x128x64xf32, #tpu.memory_space<vmem>>
      %dma_start3A_233 = tpu.memref_squeeze %dma_start3A_232 : memref<1x1x128x64xf32, #tpu.memory_space<vmem>> -> memref<128x64xf32, #tpu.memory_space<vmem>>
      %dma_start3A_234 = tpu.memref_slice %arg5[%mul3A_227] : memref<6400xi32, #tpu.memory_space<vmem>> -> memref<128xi32, #tpu.memory_space<vmem>>
      %dma_start3A_235 = arith.constant 0 : i32
      %dma_start3A_236 = arith.constant 0 : i32
      %dma_start3A_237 = tpu.memref_slice %arg2[%dma_start3A_235, %dma_start3A_236] : memref<1000000x64xf32, #tpu.memory_space<hbm>> -> memref<1000000x64xf32, #tpu.memory_space<hbm>>
      tpu.enqueue_indirect_dma source(%dma_start3A_237 : memref<1000000x64xf32, #tpu.memory_space<hbm>>) target(%dma_start3A_233 : memref<128x64xf32, #tpu.memory_space<vmem>>) offsets(%dma_start3A_234 : memref<128xi32, #tpu.memory_space<vmem>>) semaphore(%arg7 : memref<!tpu.dma_semaphore, #tpu.memory_space<semaphore_mem>>)
      %mul3A_238 = arith.constant 5 : i32
      %mul3A_239 = arith.muli %add3A_172, %mul3A_238 : i32
      %add3A_240 = arith.constant 4 : i32
      %add3A_241 = arith.addi %mul3A_239, %add3A_240 : i32
      %mul3A_242 = arith.constant 128 : i32
      %mul3A_243 = arith.muli %add3A_241, %mul3A_242 : i32
      %dma_start3A_244 = arith.constant 0 : i32
      %dma_start3A_245 = arith.constant 4 : i32
      %dma_start3A_246 = arith.constant 0 : i32
      %dma_start3A_247 = arith.constant 0 : i32
      %dma_start3A_248 = tpu.memref_slice %arg6[%dma_start3A_244, %dma_start3A_245, %dma_start3A_246, %dma_start3A_247] : memref<2x5x128x64xf32, #tpu.memory_space<vmem>> -> memref<1x1x128x64xf32, #tpu.memory_space<vmem>>
      %dma_start3A_249 = tpu.memref_squeeze %dma_start3A_248 : memref<1x1x128x64xf32, #tpu.memory_space<vmem>> -> memref<128x64xf32, #tpu.memory_space<vmem>>
      %dma_start3A_250 = tpu.memref_slice %arg5[%mul3A_243] : memref<6400xi32, #tpu.memory_space<vmem>> -> memref<128xi32, #tpu.memory_space<vmem>>
      %dma_start3A_251 = arith.constant 0 : i32
      %dma_start3A_252 = arith.constant 0 : i32
      %dma_start3A_253 = tpu.memref_slice %arg2[%dma_start3A_251, %dma_start3A_252] : memref<1000000x64xf32, #tpu.memory_space<hbm>> -> memref<1000000x64xf32, #tpu.memory_space<hbm>>
      tpu.enqueue_indirect_dma source(%dma_start3A_253 : memref<1000000x64xf32, #tpu.memory_space<hbm>>) target(%dma_start3A_249 : memref<128x64xf32, #tpu.memory_space<vmem>>) offsets(%dma_start3A_250 : memref<128xi32, #tpu.memory_space<vmem>>) semaphore(%arg7 : memref<!tpu.dma_semaphore, #tpu.memory_space<semaphore_mem>>)
      %mul3A_254 = arith.constant 5 : i32
      %mul3A_255 = arith.muli %add3A_172, %mul3A_254 : i32
      %add3A_256 = arith.constant 0 : i32
      %add3A_257 = arith.addi %mul3A_255, %add3A_256 : i32
      %mul3A_258 = arith.constant 128 : i32
      %mul3A_259 = arith.muli %add3A_257, %mul3A_258 : i32
      %dma_wait3A_260 = arith.constant 0 : i32
      %dma_wait3A_261 = arith.constant 0 : i32
      %dma_wait3A_262 = arith.constant 0 : i32
      %dma_wait3A_263 = arith.constant 0 : i32
      %dma_wait3A_264 = tpu.memref_slice %arg6[%dma_wait3A_260, %dma_wait3A_261, %dma_wait3A_262, %dma_wait3A_263] : memref<2x5x128x64xf32, #tpu.memory_space<vmem>> -> memref<1x1x128x64xf32, #tpu.memory_space<vmem>>
      %dma_wait3A_265 = tpu.memref_squeeze %dma_wait3A_264 : memref<1x1x128x64xf32, #tpu.memory_space<vmem>> -> memref<128x64xf32, #tpu.memory_space<vmem>>
      %dma_wait3A_266 = tpu.memref_slice %arg5[%mul3A_259] : memref<6400xi32, #tpu.memory_space<vmem>> -> memref<128xi32, #tpu.memory_space<vmem>>
      %dma_wait3A_267 = arith.constant 0 : i32
      %dma_wait3A_268 = arith.constant 0 : i32
      %dma_wait3A_269 = tpu.memref_slice %arg2[%dma_wait3A_267, %dma_wait3A_268] : memref<1000000x64xf32, #tpu.memory_space<hbm>> -> memref<1000000x64xf32, #tpu.memory_space<hbm>>
      tpu.wait_indirect_dma semaphore(%arg7 : memref<!tpu.dma_semaphore, #tpu.memory_space<semaphore_mem>>) src(%dma_wait3A_269 : memref<1000000x64xf32, #tpu.memory_space<hbm>>) dst(%dma_wait3A_265 : memref<128x64xf32, #tpu.memory_space<vmem>>)
      %mul3A_270 = arith.constant 5 : i32
      %mul3A_271 = arith.muli %add3A_172, %mul3A_270 : i32
      %add3A_272 = arith.constant 1 : i32
      %add3A_273 = arith.addi %mul3A_271, %add3A_272 : i32
      %mul3A_274 = arith.constant 128 : i32
      %mul3A_275 = arith.muli %add3A_273, %mul3A_274 : i32
      %dma_wait3A_276 = arith.constant 0 : i32
      %dma_wait3A_277 = arith.constant 1 : i32
      %dma_wait3A_278 = arith.constant 0 : i32
      %dma_wait3A_279 = arith.constant 0 : i32
      %dma_wait3A_280 = tpu.memref_slice %arg6[%dma_wait3A_276, %dma_wait3A_277, %dma_wait3A_278, %dma_wait3A_279] : memref<2x5x128x64xf32, #tpu.memory_space<vmem>> -> memref<1x1x128x64xf32, #tpu.memory_space<vmem>>
      %dma_wait3A_281 = tpu.memref_squeeze %dma_wait3A_280 : memref<1x1x128x64xf32, #tpu.memory_space<vmem>> -> memref<128x64xf32, #tpu.memory_space<vmem>>
      %dma_wait3A_282 = tpu.memref_slice %arg5[%mul3A_275] : memref<6400xi32, #tpu.memory_space<vmem>> -> memref<128xi32, #tpu.memory_space<vmem>>
      %dma_wait3A_283 = arith.constant 0 : i32
      %dma_wait3A_284 = arith.constant 0 : i32
      %dma_wait3A_285 = tpu.memref_slice %arg2[%dma_wait3A_283, %dma_wait3A_284] : memref<1000000x64xf32, #tpu.memory_space<hbm>> -> memref<1000000x64xf32, #tpu.memory_space<hbm>>
      tpu.wait_indirect_dma semaphore(%arg7 : memref<!tpu.dma_semaphore, #tpu.memory_space<semaphore_mem>>) src(%dma_wait3A_285 : memref<1000000x64xf32, #tpu.memory_space<hbm>>) dst(%dma_wait3A_281 : memref<128x64xf32, #tpu.memory_space<vmem>>)
      %mul3A_286 = arith.constant 5 : i32
      %mul3A_287 = arith.muli %add3A_172, %mul3A_286 : i32
      %add3A_288 = arith.constant 2 : i32
      %add3A_289 = arith.addi %mul3A_287, %add3A_288 : i32
      %mul3A_290 = arith.constant 128 : i32
      %mul3A_291 = arith.muli %add3A_289, %mul3A_290 : i32
      %dma_wait3A_292 = arith.constant 0 : i32
      %dma_wait3A_293 = arith.constant 2 : i32
      %dma_wait3A_294 = arith.constant 0 : i32
      %dma_wait3A_295 = arith.constant 0 : i32
      %dma_wait3A_296 = tpu.memref_slice %arg6[%dma_wait3A_292, %dma_wait3A_293, %dma_wait3A_294, %dma_wait3A_295] : memref<2x5x128x64xf32, #tpu.memory_space<vmem>> -> memref<1x1x128x64xf32, #tpu.memory_space<vmem>>
      %dma_wait3A_297 = tpu.memref_squeeze %dma_wait3A_296 : memref<1x1x128x64xf32, #tpu.memory_space<vmem>> -> memref<128x64xf32, #tpu.memory_space<vmem>>
      %dma_wait3A_298 = tpu.memref_slice %arg5[%mul3A_291] : memref<6400xi32, #tpu.memory_space<vmem>> -> memref<128xi32, #tpu.memory_space<vmem>>
      %dma_wait3A_299 = arith.constant 0 : i32
      %dma_wait3A_300 = arith.constant 0 : i32
      %dma_wait3A_301 = tpu.memref_slice %arg2[%dma_wait3A_299, %dma_wait3A_300] : memref<1000000x64xf32, #tpu.memory_space<hbm>> -> memref<1000000x64xf32, #tpu.memory_space<hbm>>
      tpu.wait_indirect_dma semaphore(%arg7 : memref<!tpu.dma_semaphore, #tpu.memory_space<semaphore_mem>>) src(%dma_wait3A_301 : memref<1000000x64xf32, #tpu.memory_space<hbm>>) dst(%dma_wait3A_297 : memref<128x64xf32, #tpu.memory_space<vmem>>)
      %mul3A_302 = arith.constant 5 : i32
      %mul3A_303 = arith.muli %add3A_172, %mul3A_302 : i32
      %add3A_304 = arith.constant 3 : i32
      %add3A_305 = arith.addi %mul3A_303, %add3A_304 : i32
      %mul3A_306 = arith.constant 128 : i32
      %mul3A_307 = arith.muli %add3A_305, %mul3A_306 : i32
      %dma_wait3A_308 = arith.constant 0 : i32
      %dma_wait3A_309 = arith.constant 3 : i32
      %dma_wait3A_310 = arith.constant 0 : i32
      %dma_wait3A_311 = arith.constant 0 : i32
      %dma_wait3A_312 = tpu.memref_slice %arg6[%dma_wait3A_308, %dma_wait3A_309, %dma_wait3A_310, %dma_wait3A_311] : memref<2x5x128x64xf32, #tpu.memory_space<vmem>> -> memref<1x1x128x64xf32, #tpu.memory_space<vmem>>
      %dma_wait3A_313 = tpu.memref_squeeze %dma_wait3A_312 : memref<1x1x128x64xf32, #tpu.memory_space<vmem>> -> memref<128x64xf32, #tpu.memory_space<vmem>>
      %dma_wait3A_314 = tpu.memref_slice %arg5[%mul3A_307] : memref<6400xi32, #tpu.memory_space<vmem>> -> memref<128xi32, #tpu.memory_space<vmem>>
      %dma_wait3A_315 = arith.constant 0 : i32
      %dma_wait3A_316 = arith.constant 0 : i32
      %dma_wait3A_317 = tpu.memref_slice %arg2[%dma_wait3A_315, %dma_wait3A_316] : memref<1000000x64xf32, #tpu.memory_space<hbm>> -> memref<1000000x64xf32, #tpu.memory_space<hbm>>
      tpu.wait_indirect_dma semaphore(%arg7 : memref<!tpu.dma_semaphore, #tpu.memory_space<semaphore_mem>>) src(%dma_wait3A_317 : memref<1000000x64xf32, #tpu.memory_space<hbm>>) dst(%dma_wait3A_313 : memref<128x64xf32, #tpu.memory_space<vmem>>)
      %mul3A_318 = arith.constant 5 : i32
      %mul3A_319 = arith.muli %add3A_172, %mul3A_318 : i32
      %add3A_320 = arith.constant 4 : i32
      %add3A_321 = arith.addi %mul3A_319, %add3A_320 : i32
      %mul3A_322 = arith.constant 128 : i32
      %mul3A_323 = arith.muli %add3A_321, %mul3A_322 : i32
      %dma_wait3A_324 = arith.constant 0 : i32
      %dma_wait3A_325 = arith.constant 4 : i32
      %dma_wait3A_326 = arith.constant 0 : i32
      %dma_wait3A_327 = arith.constant 0 : i32
      %dma_wait3A_328 = tpu.memref_slice %arg6[%dma_wait3A_324, %dma_wait3A_325, %dma_wait3A_326, %dma_wait3A_327] : memref<2x5x128x64xf32, #tpu.memory_space<vmem>> -> memref<1x1x128x64xf32, #tpu.memory_space<vmem>>
      %dma_wait3A_329 = tpu.memref_squeeze %dma_wait3A_328 : memref<1x1x128x64xf32, #tpu.memory_space<vmem>> -> memref<128x64xf32, #tpu.memory_space<vmem>>
      %dma_wait3A_330 = tpu.memref_slice %arg5[%mul3A_323] : memref<6400xi32, #tpu.memory_space<vmem>> -> memref<128xi32, #tpu.memory_space<vmem>>
      %dma_wait3A_331 = arith.constant 0 : i32
      %dma_wait3A_332 = arith.constant 0 : i32
      %dma_wait3A_333 = tpu.memref_slice %arg2[%dma_wait3A_331, %dma_wait3A_332] : memref<1000000x64xf32, #tpu.memory_space<hbm>> -> memref<1000000x64xf32, #tpu.memory_space<hbm>>
      tpu.wait_indirect_dma semaphore(%arg7 : memref<!tpu.dma_semaphore, #tpu.memory_space<semaphore_mem>>) src(%dma_wait3A_333 : memref<1000000x64xf32, #tpu.memory_space<hbm>>) dst(%dma_wait3A_329 : memref<128x64xf32, #tpu.memory_space<vmem>>)
      %mul3A_334 = arith.constant 5 : i32
      %mul3A_335 = arith.muli %add3A_172, %mul3A_334 : i32
      %add3A_336 = arith.constant 0 : i32
      %add3A_337 = arith.addi %mul3A_335, %add3A_336 : i32
      %mul3A_338 = arith.constant 128 : i32
      %mul3A_339 = arith.muli %add3A_337, %mul3A_338 : i32
      %add3A_340 = arith.addi %mul3A_2, %mul3A_339 : i32
      %dma_start3A_341 = arith.constant 0 : i32
      %dma_start3A_342 = arith.constant 0 : i32
      %dma_start3A_343 = arith.constant 0 : i32
      %dma_start3A_344 = arith.constant 0 : i32
      %dma_start3A_345 = tpu.memref_slice %arg6[%dma_start3A_341, %dma_start3A_342, %dma_start3A_343, %dma_start3A_344] : memref<2x5x128x64xf32, #tpu.memory_space<vmem>> -> memref<1x1x128x64xf32, #tpu.memory_space<vmem>>
      %dma_start3A_346 = tpu.memref_squeeze %dma_start3A_345 : memref<1x1x128x64xf32, #tpu.memory_space<vmem>> -> memref<128x64xf32, #tpu.memory_space<vmem>>
      %dma_start3A_347 = arith.constant 0 : i32
      %dma_start3A_348 = tpu.memref_slice %arg4[%add3A_340, %dma_start3A_347] : memref<204800x64xf32, #tpu.memory_space<hbm>> -> memref<128x64xf32, #tpu.memory_space<hbm>>
      %dma_start3A_349 = arith.constant 0 : i32
      %dma_start3A_350 = tpu.memref_slice %arg4[%add3A_340, %dma_start3A_349] : memref<204800x64xf32, #tpu.memory_space<hbm>> -> memref<128x64xf32, #tpu.memory_space<hbm>>
      %dma_start3A_351 = arith.constant 0 : i32
      %dma_start3A_352 = arith.constant 0 : i32
      %dma_start3A_353 = tpu.memref_slice %arg6[%dma_start3A_341, %dma_start3A_342, %dma_start3A_351, %dma_start3A_352] : memref<2x5x128x64xf32, #tpu.memory_space<vmem>> -> memref<1x1x128x64xf32, #tpu.memory_space<vmem>>
      %dma_start3A_354 = tpu.memref_squeeze %dma_start3A_353 : memref<1x1x128x64xf32, #tpu.memory_space<vmem>> -> memref<128x64xf32, #tpu.memory_space<vmem>>
      tpu.enqueue_dma source(%dma_start3A_354 : memref<128x64xf32, #tpu.memory_space<vmem>>) target(%dma_start3A_350 : memref<128x64xf32, #tpu.memory_space<hbm>>) target_semaphore(%arg8 : memref<!tpu.dma_semaphore, #tpu.memory_space<semaphore_mem>>)
      %mul3A_355 = arith.constant 5 : i32
      %mul3A_356 = arith.muli %add3A_172, %mul3A_355 : i32
      %add3A_357 = arith.constant 1 : i32
      %add3A_358 = arith.addi %mul3A_356, %add3A_357 : i32
      %mul3A_359 = arith.constant 128 : i32
      %mul3A_360 = arith.muli %add3A_358, %mul3A_359 : i32
      %add3A_361 = arith.addi %mul3A_2, %mul3A_360 : i32
      %dma_start3A_362 = arith.constant 0 : i32
      %dma_start3A_363 = arith.constant 1 : i32
      %dma_start3A_364 = arith.constant 0 : i32
      %dma_start3A_365 = arith.constant 0 : i32
      %dma_start3A_366 = tpu.memref_slice %arg6[%dma_start3A_362, %dma_start3A_363, %dma_start3A_364, %dma_start3A_365] : memref<2x5x128x64xf32, #tpu.memory_space<vmem>> -> memref<1x1x128x64xf32, #tpu.memory_space<vmem>>
      %dma_start3A_367 = tpu.memref_squeeze %dma_start3A_366 : memref<1x1x128x64xf32, #tpu.memory_space<vmem>> -> memref<128x64xf32, #tpu.memory_space<vmem>>
      %dma_start3A_368 = arith.constant 0 : i32
      %dma_start3A_369 = tpu.memref_slice %arg4[%add3A_361, %dma_start3A_368] : memref<204800x64xf32, #tpu.memory_space<hbm>> -> memref<128x64xf32, #tpu.memory_space<hbm>>
      %dma_start3A_370 = arith.constant 0 : i32
      %dma_start3A_371 = tpu.memref_slice %arg4[%add3A_361, %dma_start3A_370] : memref<204800x64xf32, #tpu.memory_space<hbm>> -> memref<128x64xf32, #tpu.memory_space<hbm>>
      %dma_start3A_372 = arith.constant 0 : i32
      %dma_start3A_373 = arith.constant 0 : i32
      %dma_start3A_374 = tpu.memref_slice %arg6[%dma_start3A_362, %dma_start3A_363, %dma_start3A_372, %dma_start3A_373] : memref<2x5x128x64xf32, #tpu.memory_space<vmem>> -> memref<1x1x128x64xf32, #tpu.memory_space<vmem>>
      %dma_start3A_375 = tpu.memref_squeeze %dma_start3A_374 : memref<1x1x128x64xf32, #tpu.memory_space<vmem>> -> memref<128x64xf32, #tpu.memory_space<vmem>>
      tpu.enqueue_dma source(%dma_start3A_375 : memref<128x64xf32, #tpu.memory_space<vmem>>) target(%dma_start3A_371 : memref<128x64xf32, #tpu.memory_space<hbm>>) target_semaphore(%arg8 : memref<!tpu.dma_semaphore, #tpu.memory_space<semaphore_mem>>)
      %mul3A_376 = arith.constant 5 : i32
      %mul3A_377 = arith.muli %add3A_172, %mul3A_376 : i32
      %add3A_378 = arith.constant 2 : i32
      %add3A_379 = arith.addi %mul3A_377, %add3A_378 : i32
      %mul3A_380 = arith.constant 128 : i32
      %mul3A_381 = arith.muli %add3A_379, %mul3A_380 : i32
      %add3A_382 = arith.addi %mul3A_2, %mul3A_381 : i32
      %dma_start3A_383 = arith.constant 0 : i32
      %dma_start3A_384 = arith.constant 2 : i32
      %dma_start3A_385 = arith.constant 0 : i32
      %dma_start3A_386 = arith.constant 0 : i32
      %dma_start3A_387 = tpu.memref_slice %arg6[%dma_start3A_383, %dma_start3A_384, %dma_start3A_385, %dma_start3A_386] : memref<2x5x128x64xf32, #tpu.memory_space<vmem>> -> memref<1x1x128x64xf32, #tpu.memory_space<vmem>>
      %dma_start3A_388 = tpu.memref_squeeze %dma_start3A_387 : memref<1x1x128x64xf32, #tpu.memory_space<vmem>> -> memref<128x64xf32, #tpu.memory_space<vmem>>
      %dma_start3A_389 = arith.constant 0 : i32
      %dma_start3A_390 = tpu.memref_slice %arg4[%add3A_382, %dma_start3A_389] : memref<204800x64xf32, #tpu.memory_space<hbm>> -> memref<128x64xf32, #tpu.memory_space<hbm>>
      %dma_start3A_391 = arith.constant 0 : i32
      %dma_start3A_392 = tpu.memref_slice %arg4[%add3A_382, %dma_start3A_391] : memref<204800x64xf32, #tpu.memory_space<hbm>> -> memref<128x64xf32, #tpu.memory_space<hbm>>
      %dma_start3A_393 = arith.constant 0 : i32
      %dma_start3A_394 = arith.constant 0 : i32
      %dma_start3A_395 = tpu.memref_slice %arg6[%dma_start3A_383, %dma_start3A_384, %dma_start3A_393, %dma_start3A_394] : memref<2x5x128x64xf32, #tpu.memory_space<vmem>> -> memref<1x1x128x64xf32, #tpu.memory_space<vmem>>
      %dma_start3A_396 = tpu.memref_squeeze %dma_start3A_395 : memref<1x1x128x64xf32, #tpu.memory_space<vmem>> -> memref<128x64xf32, #tpu.memory_space<vmem>>
      tpu.enqueue_dma source(%dma_start3A_396 : memref<128x64xf32, #tpu.memory_space<vmem>>) target(%dma_start3A_392 : memref<128x64xf32, #tpu.memory_space<hbm>>) target_semaphore(%arg8 : memref<!tpu.dma_semaphore, #tpu.memory_space<semaphore_mem>>)
      %mul3A_397 = arith.constant 5 : i32
      %mul3A_398 = arith.muli %add3A_172, %mul3A_397 : i32
      %add3A_399 = arith.constant 3 : i32
      %add3A_400 = arith.addi %mul3A_398, %add3A_399 : i32
      %mul3A_401 = arith.constant 128 : i32
      %mul3A_402 = arith.muli %add3A_400, %mul3A_401 : i32
      %add3A_403 = arith.addi %mul3A_2, %mul3A_402 : i32
      %dma_start3A_404 = arith.constant 0 : i32
      %dma_start3A_405 = arith.constant 3 : i32
      %dma_start3A_406 = arith.constant 0 : i32
      %dma_start3A_407 = arith.constant 0 : i32
      %dma_start3A_408 = tpu.memref_slice %arg6[%dma_start3A_404, %dma_start3A_405, %dma_start3A_406, %dma_start3A_407] : memref<2x5x128x64xf32, #tpu.memory_space<vmem>> -> memref<1x1x128x64xf32, #tpu.memory_space<vmem>>
      %dma_start3A_409 = tpu.memref_squeeze %dma_start3A_408 : memref<1x1x128x64xf32, #tpu.memory_space<vmem>> -> memref<128x64xf32, #tpu.memory_space<vmem>>
      %dma_start3A_410 = arith.constant 0 : i32
      %dma_start3A_411 = tpu.memref_slice %arg4[%add3A_403, %dma_start3A_410] : memref<204800x64xf32, #tpu.memory_space<hbm>> -> memref<128x64xf32, #tpu.memory_space<hbm>>
      %dma_start3A_412 = arith.constant 0 : i32
      %dma_start3A_413 = tpu.memref_slice %arg4[%add3A_403, %dma_start3A_412] : memref<204800x64xf32, #tpu.memory_space<hbm>> -> memref<128x64xf32, #tpu.memory_space<hbm>>
      %dma_start3A_414 = arith.constant 0 : i32
      %dma_start3A_415 = arith.constant 0 : i32
      %dma_start3A_416 = tpu.memref_slice %arg6[%dma_start3A_404, %dma_start3A_405, %dma_start3A_414, %dma_start3A_415] : memref<2x5x128x64xf32, #tpu.memory_space<vmem>> -> memref<1x1x128x64xf32, #tpu.memory_space<vmem>>
      %dma_start3A_417 = tpu.memref_squeeze %dma_start3A_416 : memref<1x1x128x64xf32, #tpu.memory_space<vmem>> -> memref<128x64xf32, #tpu.memory_space<vmem>>
      tpu.enqueue_dma source(%dma_start3A_417 : memref<128x64xf32, #tpu.memory_space<vmem>>) target(%dma_start3A_413 : memref<128x64xf32, #tpu.memory_space<hbm>>) target_semaphore(%arg8 : memref<!tpu.dma_semaphore, #tpu.memory_space<semaphore_mem>>)
      %mul3A_418 = arith.constant 5 : i32
      %mul3A_419 = arith.muli %add3A_172, %mul3A_418 : i32
      %add3A_420 = arith.constant 4 : i32
      %add3A_421 = arith.addi %mul3A_419, %add3A_420 : i32
      %mul3A_422 = arith.constant 128 : i32
      %mul3A_423 = arith.muli %add3A_421, %mul3A_422 : i32
      %add3A_424 = arith.addi %mul3A_2, %mul3A_423 : i32
      %dma_start3A_425 = arith.constant 0 : i32
      %dma_start3A_426 = arith.constant 4 : i32
      %dma_start3A_427 = arith.constant 0 : i32
      %dma_start3A_428 = arith.constant 0 : i32
      %dma_start3A_429 = tpu.memref_slice %arg6[%dma_start3A_425, %dma_start3A_426, %dma_start3A_427, %dma_start3A_428] : memref<2x5x128x64xf32, #tpu.memory_space<vmem>> -> memref<1x1x128x64xf32, #tpu.memory_space<vmem>>
      %dma_start3A_430 = tpu.memref_squeeze %dma_start3A_429 : memref<1x1x128x64xf32, #tpu.memory_space<vmem>> -> memref<128x64xf32, #tpu.memory_space<vmem>>
      %dma_start3A_431 = arith.constant 0 : i32
      %dma_start3A_432 = tpu.memref_slice %arg4[%add3A_424, %dma_start3A_431] : memref<204800x64xf32, #tpu.memory_space<hbm>> -> memref<128x64xf32, #tpu.memory_space<hbm>>
      %dma_start3A_433 = arith.constant 0 : i32
      %dma_start3A_434 = tpu.memref_slice %arg4[%add3A_424, %dma_start3A_433] : memref<204800x64xf32, #tpu.memory_space<hbm>> -> memref<128x64xf32, #tpu.memory_space<hbm>>
      %dma_start3A_435 = arith.constant 0 : i32
      %dma_start3A_436 = arith.constant 0 : i32
      %dma_start3A_437 = tpu.memref_slice %arg6[%dma_start3A_425, %dma_start3A_426, %dma_start3A_435, %dma_start3A_436] : memref<2x5x128x64xf32, #tpu.memory_space<vmem>> -> memref<1x1x128x64xf32, #tpu.memory_space<vmem>>
      %dma_start3A_438 = tpu.memref_squeeze %dma_start3A_437 : memref<1x1x128x64xf32, #tpu.memory_space<vmem>> -> memref<128x64xf32, #tpu.memory_space<vmem>>
      tpu.enqueue_dma source(%dma_start3A_438 : memref<128x64xf32, #tpu.memory_space<vmem>>) target(%dma_start3A_434 : memref<128x64xf32, #tpu.memory_space<hbm>>) target_semaphore(%arg8 : memref<!tpu.dma_semaphore, #tpu.memory_space<semaphore_mem>>)
      %add3A_439 = arith.constant 1 : i32
      %add3A_440 = arith.addi %add3A_170, %add3A_439 : i32
      %ge3A_441 = arith.constant 2 : i32
      %ge3A_442 = arith.cmpi sge, %add3A_440, %ge3A_441 : i32
      %convert_element_type3A_443 = arith.extui %ge3A_442 : i1 to i32
      %cond3A_444 = arith.constant 0 : i32
      %cond3A_445 = arith.cmpi ne, %convert_element_type3A_443, %cond3A_444 : i32
      scf.if %cond3A_445 {
        %sub3A = arith.constant 2 : i32
        %sub3A_711 = arith.subi %add3A_440, %sub3A : i32
        %max3A = arith.constant 0 : i32
        %max3A_712 = arith.maxsi %sub3A_711, %max3A : i32
        %mul3A_713 = arith.constant 5 : i32
        %mul3A_714 = arith.muli %max3A_712, %mul3A_713 : i32
        %add3A_715 = arith.constant 0 : i32
        %add3A_716 = arith.addi %mul3A_714, %add3A_715 : i32
        %mul3A_717 = arith.constant 128 : i32
        %mul3A_718 = arith.muli %add3A_716, %mul3A_717 : i32
        %add3A_719 = arith.addi %mul3A_2, %mul3A_718 : i32
        %dma_wait3A_720 = arith.constant 1 : i32
        %dma_wait3A_721 = arith.constant 0 : i32
        %dma_wait3A_722 = arith.constant 0 : i32
        %dma_wait3A_723 = arith.constant 0 : i32
        %dma_wait3A_724 = tpu.memref_slice %arg6[%dma_wait3A_720, %dma_wait3A_721, %dma_wait3A_722, %dma_wait3A_723] : memref<2x5x128x64xf32, #tpu.memory_space<vmem>> -> memref<1x1x128x64xf32, #tpu.memory_space<vmem>>
        %dma_wait3A_725 = tpu.memref_squeeze %dma_wait3A_724 : memref<1x1x128x64xf32, #tpu.memory_space<vmem>> -> memref<128x64xf32, #tpu.memory_space<vmem>>
        %dma_wait3A_726 = arith.constant 0 : i32
        %dma_wait3A_727 = tpu.memref_slice %arg4[%add3A_719, %dma_wait3A_726] : memref<204800x64xf32, #tpu.memory_space<hbm>> -> memref<128x64xf32, #tpu.memory_space<hbm>>
        %dma_wait3A_728 = arith.constant 0 : i32
        %dma_wait3A_729 = tpu.memref_slice %arg4[%add3A_719, %dma_wait3A_728] : memref<204800x64xf32, #tpu.memory_space<hbm>> -> memref<128x64xf32, #tpu.memory_space<hbm>>
        %dma_wait3A_730 = arith.constant 0 : i32
        %dma_wait3A_731 = arith.constant 0 : i32
        %dma_wait3A_732 = tpu.memref_slice %arg6[%dma_wait3A_720, %dma_wait3A_721, %dma_wait3A_730, %dma_wait3A_731] : memref<2x5x128x64xf32, #tpu.memory_space<vmem>> -> memref<1x1x128x64xf32, #tpu.memory_space<vmem>>
        %dma_wait3A_733 = tpu.memref_squeeze %dma_wait3A_732 : memref<1x1x128x64xf32, #tpu.memory_space<vmem>> -> memref<128x64xf32, #tpu.memory_space<vmem>>
        tpu.wait_dma2 semaphore(%arg9 : memref<!tpu.dma_semaphore, #tpu.memory_space<semaphore_mem>>) src(%dma_wait3A_733 : memref<128x64xf32, #tpu.memory_space<vmem>>) dst(%dma_wait3A_729 : memref<128x64xf32, #tpu.memory_space<hbm>>)
        %mul3A_734 = arith.constant 5 : i32
        %mul3A_735 = arith.muli %max3A_712, %mul3A_734 : i32
        %add3A_736 = arith.constant 1 : i32
        %add3A_737 = arith.addi %mul3A_735, %add3A_736 : i32
        %mul3A_738 = arith.constant 128 : i32
        %mul3A_739 = arith.muli %add3A_737, %mul3A_738 : i32
        %add3A_740 = arith.addi %mul3A_2, %mul3A_739 : i32
        %dma_wait3A_741 = arith.constant 1 : i32
        %dma_wait3A_742 = arith.constant 1 : i32
        %dma_wait3A_743 = arith.constant 0 : i32
        %dma_wait3A_744 = arith.constant 0 : i32
        %dma_wait3A_745 = tpu.memref_slice %arg6[%dma_wait3A_741, %dma_wait3A_742, %dma_wait3A_743, %dma_wait3A_744] : memref<2x5x128x64xf32, #tpu.memory_space<vmem>> -> memref<1x1x128x64xf32, #tpu.memory_space<vmem>>
        %dma_wait3A_746 = tpu.memref_squeeze %dma_wait3A_745 : memref<1x1x128x64xf32, #tpu.memory_space<vmem>> -> memref<128x64xf32, #tpu.memory_space<vmem>>
        %dma_wait3A_747 = arith.constant 0 : i32
        %dma_wait3A_748 = tpu.memref_slice %arg4[%add3A_740, %dma_wait3A_747] : memref<204800x64xf32, #tpu.memory_space<hbm>> -> memref<128x64xf32, #tpu.memory_space<hbm>>
        %dma_wait3A_749 = arith.constant 0 : i32
        %dma_wait3A_750 = tpu.memref_slice %arg4[%add3A_740, %dma_wait3A_749] : memref<204800x64xf32, #tpu.memory_space<hbm>> -> memref<128x64xf32, #tpu.memory_space<hbm>>
        %dma_wait3A_751 = arith.constant 0 : i32
        %dma_wait3A_752 = arith.constant 0 : i32
        %dma_wait3A_753 = tpu.memref_slice %arg6[%dma_wait3A_741, %dma_wait3A_742, %dma_wait3A_751, %dma_wait3A_752] : memref<2x5x128x64xf32, #tpu.memory_space<vmem>> -> memref<1x1x128x64xf32, #tpu.memory_space<vmem>>
        %dma_wait3A_754 = tpu.memref_squeeze %dma_wait3A_753 : memref<1x1x128x64xf32, #tpu.memory_space<vmem>> -> memref<128x64xf32, #tpu.memory_space<vmem>>
        tpu.wait_dma2 semaphore(%arg9 : memref<!tpu.dma_semaphore, #tpu.memory_space<semaphore_mem>>) src(%dma_wait3A_754 : memref<128x64xf32, #tpu.memory_space<vmem>>) dst(%dma_wait3A_750 : memref<128x64xf32, #tpu.memory_space<hbm>>)
        %mul3A_755 = arith.constant 5 : i32
        %mul3A_756 = arith.muli %max3A_712, %mul3A_755 : i32
        %add3A_757 = arith.constant 2 : i32
        %add3A_758 = arith.addi %mul3A_756, %add3A_757 : i32
        %mul3A_759 = arith.constant 128 : i32
        %mul3A_760 = arith.muli %add3A_758, %mul3A_759 : i32
        %add3A_761 = arith.addi %mul3A_2, %mul3A_760 : i32
        %dma_wait3A_762 = arith.constant 1 : i32
        %dma_wait3A_763 = arith.constant 2 : i32
        %dma_wait3A_764 = arith.constant 0 : i32
        %dma_wait3A_765 = arith.constant 0 : i32
        %dma_wait3A_766 = tpu.memref_slice %arg6[%dma_wait3A_762, %dma_wait3A_763, %dma_wait3A_764, %dma_wait3A_765] : memref<2x5x128x64xf32, #tpu.memory_space<vmem>> -> memref<1x1x128x64xf32, #tpu.memory_space<vmem>>
        %dma_wait3A_767 = tpu.memref_squeeze %dma_wait3A_766 : memref<1x1x128x64xf32, #tpu.memory_space<vmem>> -> memref<128x64xf32, #tpu.memory_space<vmem>>
        %dma_wait3A_768 = arith.constant 0 : i32
        %dma_wait3A_769 = tpu.memref_slice %arg4[%add3A_761, %dma_wait3A_768] : memref<204800x64xf32, #tpu.memory_space<hbm>> -> memref<128x64xf32, #tpu.memory_space<hbm>>
        %dma_wait3A_770 = arith.constant 0 : i32
        %dma_wait3A_771 = tpu.memref_slice %arg4[%add3A_761, %dma_wait3A_770] : memref<204800x64xf32, #tpu.memory_space<hbm>> -> memref<128x64xf32, #tpu.memory_space<hbm>>
        %dma_wait3A_772 = arith.constant 0 : i32
        %dma_wait3A_773 = arith.constant 0 : i32
        %dma_wait3A_774 = tpu.memref_slice %arg6[%dma_wait3A_762, %dma_wait3A_763, %dma_wait3A_772, %dma_wait3A_773] : memref<2x5x128x64xf32, #tpu.memory_space<vmem>> -> memref<1x1x128x64xf32, #tpu.memory_space<vmem>>
        %dma_wait3A_775 = tpu.memref_squeeze %dma_wait3A_774 : memref<1x1x128x64xf32, #tpu.memory_space<vmem>> -> memref<128x64xf32, #tpu.memory_space<vmem>>
        tpu.wait_dma2 semaphore(%arg9 : memref<!tpu.dma_semaphore, #tpu.memory_space<semaphore_mem>>) src(%dma_wait3A_775 : memref<128x64xf32, #tpu.memory_space<vmem>>) dst(%dma_wait3A_771 : memref<128x64xf32, #tpu.memory_space<hbm>>)
        %mul3A_776 = arith.constant 5 : i32
        %mul3A_777 = arith.muli %max3A_712, %mul3A_776 : i32
        %add3A_778 = arith.constant 3 : i32
        %add3A_779 = arith.addi %mul3A_777, %add3A_778 : i32
        %mul3A_780 = arith.constant 128 : i32
        %mul3A_781 = arith.muli %add3A_779, %mul3A_780 : i32
        %add3A_782 = arith.addi %mul3A_2, %mul3A_781 : i32
        %dma_wait3A_783 = arith.constant 1 : i32
        %dma_wait3A_784 = arith.constant 3 : i32
        %dma_wait3A_785 = arith.constant 0 : i32
        %dma_wait3A_786 = arith.constant 0 : i32
        %dma_wait3A_787 = tpu.memref_slice %arg6[%dma_wait3A_783, %dma_wait3A_784, %dma_wait3A_785, %dma_wait3A_786] : memref<2x5x128x64xf32, #tpu.memory_space<vmem>> -> memref<1x1x128x64xf32, #tpu.memory_space<vmem>>
        %dma_wait3A_788 = tpu.memref_squeeze %dma_wait3A_787 : memref<1x1x128x64xf32, #tpu.memory_space<vmem>> -> memref<128x64xf32, #tpu.memory_space<vmem>>
        %dma_wait3A_789 = arith.constant 0 : i32
        %dma_wait3A_790 = tpu.memref_slice %arg4[%add3A_782, %dma_wait3A_789] : memref<204800x64xf32, #tpu.memory_space<hbm>> -> memref<128x64xf32, #tpu.memory_space<hbm>>
        %dma_wait3A_791 = arith.constant 0 : i32
        %dma_wait3A_792 = tpu.memref_slice %arg4[%add3A_782, %dma_wait3A_791] : memref<204800x64xf32, #tpu.memory_space<hbm>> -> memref<128x64xf32, #tpu.memory_space<hbm>>
        %dma_wait3A_793 = arith.constant 0 : i32
        %dma_wait3A_794 = arith.constant 0 : i32
        %dma_wait3A_795 = tpu.memref_slice %arg6[%dma_wait3A_783, %dma_wait3A_784, %dma_wait3A_793, %dma_wait3A_794] : memref<2x5x128x64xf32, #tpu.memory_space<vmem>> -> memref<1x1x128x64xf32, #tpu.memory_space<vmem>>
        %dma_wait3A_796 = tpu.memref_squeeze %dma_wait3A_795 : memref<1x1x128x64xf32, #tpu.memory_space<vmem>> -> memref<128x64xf32, #tpu.memory_space<vmem>>
        tpu.wait_dma2 semaphore(%arg9 : memref<!tpu.dma_semaphore, #tpu.memory_space<semaphore_mem>>) src(%dma_wait3A_796 : memref<128x64xf32, #tpu.memory_space<vmem>>) dst(%dma_wait3A_792 : memref<128x64xf32, #tpu.memory_space<hbm>>)
        %mul3A_797 = arith.constant 5 : i32
        %mul3A_798 = arith.muli %max3A_712, %mul3A_797 : i32
        %add3A_799 = arith.constant 4 : i32
        %add3A_800 = arith.addi %mul3A_798, %add3A_799 : i32
        %mul3A_801 = arith.constant 128 : i32
        %mul3A_802 = arith.muli %add3A_800, %mul3A_801 : i32
        %add3A_803 = arith.addi %mul3A_2, %mul3A_802 : i32
        %dma_wait3A_804 = arith.constant 1 : i32
        %dma_wait3A_805 = arith.constant 4 : i32
        %dma_wait3A_806 = arith.constant 0 : i32
        %dma_wait3A_807 = arith.constant 0 : i32
        %dma_wait3A_808 = tpu.memref_slice %arg6[%dma_wait3A_804, %dma_wait3A_805, %dma_wait3A_806, %dma_wait3A_807] : memref<2x5x128x64xf32, #tpu.memory_space<vmem>> -> memref<1x1x128x64xf32, #tpu.memory_space<vmem>>
        %dma_wait3A_809 = tpu.memref_squeeze %dma_wait3A_808 : memref<1x1x128x64xf32, #tpu.memory_space<vmem>> -> memref<128x64xf32, #tpu.memory_space<vmem>>
        %dma_wait3A_810 = arith.constant 0 : i32
        %dma_wait3A_811 = tpu.memref_slice %arg4[%add3A_803, %dma_wait3A_810] : memref<204800x64xf32, #tpu.memory_space<hbm>> -> memref<128x64xf32, #tpu.memory_space<hbm>>
        %dma_wait3A_812 = arith.constant 0 : i32
        %dma_wait3A_813 = tpu.memref_slice %arg4[%add3A_803, %dma_wait3A_812] : memref<204800x64xf32, #tpu.memory_space<hbm>> -> memref<128x64xf32, #tpu.memory_space<hbm>>
        %dma_wait3A_814 = arith.constant 0 : i32
        %dma_wait3A_815 = arith.constant 0 : i32
        %dma_wait3A_816 = tpu.memref_slice %arg6[%dma_wait3A_804, %dma_wait3A_805, %dma_wait3A_814, %dma_wait3A_815] : memref<2x5x128x64xf32, #tpu.memory_space<vmem>> -> memref<1x1x128x64xf32, #tpu.memory_space<vmem>>
        %dma_wait3A_817 = tpu.memref_squeeze %dma_wait3A_816 : memref<1x1x128x64xf32, #tpu.memory_space<vmem>> -> memref<128x64xf32, #tpu.memory_space<vmem>>
        tpu.wait_dma2 semaphore(%arg9 : memref<!tpu.dma_semaphore, #tpu.memory_space<semaphore_mem>>) src(%dma_wait3A_817 : memref<128x64xf32, #tpu.memory_space<vmem>>) dst(%dma_wait3A_813 : memref<128x64xf32, #tpu.memory_space<hbm>>)
      } else {
      }
      %mul3A_446 = arith.constant 5 : i32
      %mul3A_447 = arith.muli %add3A_440, %mul3A_446 : i32
      %add3A_448 = arith.constant 0 : i32
      %add3A_449 = arith.addi %mul3A_447, %add3A_448 : i32
      %mul3A_450 = arith.constant 128 : i32
      %mul3A_451 = arith.muli %add3A_449, %mul3A_450 : i32
      %dma_start3A_452 = arith.constant 1 : i32
      %dma_start3A_453 = arith.constant 0 : i32
      %dma_start3A_454 = arith.constant 0 : i32
      %dma_start3A_455 = arith.constant 0 : i32
      %dma_start3A_456 = tpu.memref_slice %arg6[%dma_start3A_452, %dma_start3A_453, %dma_start3A_454, %dma_start3A_455] : memref<2x5x128x64xf32, #tpu.memory_space<vmem>> -> memref<1x1x128x64xf32, #tpu.memory_space<vmem>>
      %dma_start3A_457 = tpu.memref_squeeze %dma_start3A_456 : memref<1x1x128x64xf32, #tpu.memory_space<vmem>> -> memref<128x64xf32, #tpu.memory_space<vmem>>
      %dma_start3A_458 = tpu.memref_slice %arg5[%mul3A_451] : memref<6400xi32, #tpu.memory_space<vmem>> -> memref<128xi32, #tpu.memory_space<vmem>>
      %dma_start3A_459 = arith.constant 0 : i32
      %dma_start3A_460 = arith.constant 0 : i32
      %dma_start3A_461 = tpu.memref_slice %arg2[%dma_start3A_459, %dma_start3A_460] : memref<1000000x64xf32, #tpu.memory_space<hbm>> -> memref<1000000x64xf32, #tpu.memory_space<hbm>>
      tpu.enqueue_indirect_dma source(%dma_start3A_461 : memref<1000000x64xf32, #tpu.memory_space<hbm>>) target(%dma_start3A_457 : memref<128x64xf32, #tpu.memory_space<vmem>>) offsets(%dma_start3A_458 : memref<128xi32, #tpu.memory_space<vmem>>) semaphore(%arg7 : memref<!tpu.dma_semaphore, #tpu.memory_space<semaphore_mem>>)
      %mul3A_462 = arith.constant 5 : i32
      %mul3A_463 = arith.muli %add3A_440, %mul3A_462 : i32
      %add3A_464 = arith.constant 1 : i32
      %add3A_465 = arith.addi %mul3A_463, %add3A_464 : i32
      %mul3A_466 = arith.constant 128 : i32
      %mul3A_467 = arith.muli %add3A_465, %mul3A_466 : i32
      %dma_start3A_468 = arith.constant 1 : i32
      %dma_start3A_469 = arith.constant 1 : i32
      %dma_start3A_470 = arith.constant 0 : i32
      %dma_start3A_471 = arith.constant 0 : i32
      %dma_start3A_472 = tpu.memref_slice %arg6[%dma_start3A_468, %dma_start3A_469, %dma_start3A_470, %dma_start3A_471] : memref<2x5x128x64xf32, #tpu.memory_space<vmem>> -> memref<1x1x128x64xf32, #tpu.memory_space<vmem>>
      %dma_start3A_473 = tpu.memref_squeeze %dma_start3A_472 : memref<1x1x128x64xf32, #tpu.memory_space<vmem>> -> memref<128x64xf32, #tpu.memory_space<vmem>>
      %dma_start3A_474 = tpu.memref_slice %arg5[%mul3A_467] : memref<6400xi32, #tpu.memory_space<vmem>> -> memref<128xi32, #tpu.memory_space<vmem>>
      %dma_start3A_475 = arith.constant 0 : i32
      %dma_start3A_476 = arith.constant 0 : i32
      %dma_start3A_477 = tpu.memref_slice %arg2[%dma_start3A_475, %dma_start3A_476] : memref<1000000x64xf32, #tpu.memory_space<hbm>> -> memref<1000000x64xf32, #tpu.memory_space<hbm>>
      tpu.enqueue_indirect_dma source(%dma_start3A_477 : memref<1000000x64xf32, #tpu.memory_space<hbm>>) target(%dma_start3A_473 : memref<128x64xf32, #tpu.memory_space<vmem>>) offsets(%dma_start3A_474 : memref<128xi32, #tpu.memory_space<vmem>>) semaphore(%arg7 : memref<!tpu.dma_semaphore, #tpu.memory_space<semaphore_mem>>)
      %mul3A_478 = arith.constant 5 : i32
      %mul3A_479 = arith.muli %add3A_440, %mul3A_478 : i32
      %add3A_480 = arith.constant 2 : i32
      %add3A_481 = arith.addi %mul3A_479, %add3A_480 : i32
      %mul3A_482 = arith.constant 128 : i32
      %mul3A_483 = arith.muli %add3A_481, %mul3A_482 : i32
      %dma_start3A_484 = arith.constant 1 : i32
      %dma_start3A_485 = arith.constant 2 : i32
      %dma_start3A_486 = arith.constant 0 : i32
      %dma_start3A_487 = arith.constant 0 : i32
      %dma_start3A_488 = tpu.memref_slice %arg6[%dma_start3A_484, %dma_start3A_485, %dma_start3A_486, %dma_start3A_487] : memref<2x5x128x64xf32, #tpu.memory_space<vmem>> -> memref<1x1x128x64xf32, #tpu.memory_space<vmem>>
      %dma_start3A_489 = tpu.memref_squeeze %dma_start3A_488 : memref<1x1x128x64xf32, #tpu.memory_space<vmem>> -> memref<128x64xf32, #tpu.memory_space<vmem>>
      %dma_start3A_490 = tpu.memref_slice %arg5[%mul3A_483] : memref<6400xi32, #tpu.memory_space<vmem>> -> memref<128xi32, #tpu.memory_space<vmem>>
      %dma_start3A_491 = arith.constant 0 : i32
      %dma_start3A_492 = arith.constant 0 : i32
      %dma_start3A_493 = tpu.memref_slice %arg2[%dma_start3A_491, %dma_start3A_492] : memref<1000000x64xf32, #tpu.memory_space<hbm>> -> memref<1000000x64xf32, #tpu.memory_space<hbm>>
      tpu.enqueue_indirect_dma source(%dma_start3A_493 : memref<1000000x64xf32, #tpu.memory_space<hbm>>) target(%dma_start3A_489 : memref<128x64xf32, #tpu.memory_space<vmem>>) offsets(%dma_start3A_490 : memref<128xi32, #tpu.memory_space<vmem>>) semaphore(%arg7 : memref<!tpu.dma_semaphore, #tpu.memory_space<semaphore_mem>>)
      %mul3A_494 = arith.constant 5 : i32
      %mul3A_495 = arith.muli %add3A_440, %mul3A_494 : i32
      %add3A_496 = arith.constant 3 : i32
      %add3A_497 = arith.addi %mul3A_495, %add3A_496 : i32
      %mul3A_498 = arith.constant 128 : i32
      %mul3A_499 = arith.muli %add3A_497, %mul3A_498 : i32
      %dma_start3A_500 = arith.constant 1 : i32
      %dma_start3A_501 = arith.constant 3 : i32
      %dma_start3A_502 = arith.constant 0 : i32
      %dma_start3A_503 = arith.constant 0 : i32
      %dma_start3A_504 = tpu.memref_slice %arg6[%dma_start3A_500, %dma_start3A_501, %dma_start3A_502, %dma_start3A_503] : memref<2x5x128x64xf32, #tpu.memory_space<vmem>> -> memref<1x1x128x64xf32, #tpu.memory_space<vmem>>
      %dma_start3A_505 = tpu.memref_squeeze %dma_start3A_504 : memref<1x1x128x64xf32, #tpu.memory_space<vmem>> -> memref<128x64xf32, #tpu.memory_space<vmem>>
      %dma_start3A_506 = tpu.memref_slice %arg5[%mul3A_499] : memref<6400xi32, #tpu.memory_space<vmem>> -> memref<128xi32, #tpu.memory_space<vmem>>
      %dma_start3A_507 = arith.constant 0 : i32
      %dma_start3A_508 = arith.constant 0 : i32
      %dma_start3A_509 = tpu.memref_slice %arg2[%dma_start3A_507, %dma_start3A_508] : memref<1000000x64xf32, #tpu.memory_space<hbm>> -> memref<1000000x64xf32, #tpu.memory_space<hbm>>
      tpu.enqueue_indirect_dma source(%dma_start3A_509 : memref<1000000x64xf32, #tpu.memory_space<hbm>>) target(%dma_start3A_505 : memref<128x64xf32, #tpu.memory_space<vmem>>) offsets(%dma_start3A_506 : memref<128xi32, #tpu.memory_space<vmem>>) semaphore(%arg7 : memref<!tpu.dma_semaphore, #tpu.memory_space<semaphore_mem>>)
      %mul3A_510 = arith.constant 5 : i32
      %mul3A_511 = arith.muli %add3A_440, %mul3A_510 : i32
      %add3A_512 = arith.constant 4 : i32
      %add3A_513 = arith.addi %mul3A_511, %add3A_512 : i32
      %mul3A_514 = arith.constant 128 : i32
      %mul3A_515 = arith.muli %add3A_513, %mul3A_514 : i32
      %dma_start3A_516 = arith.constant 1 : i32
      %dma_start3A_517 = arith.constant 4 : i32
      %dma_start3A_518 = arith.constant 0 : i32
      %dma_start3A_519 = arith.constant 0 : i32
      %dma_start3A_520 = tpu.memref_slice %arg6[%dma_start3A_516, %dma_start3A_517, %dma_start3A_518, %dma_start3A_519] : memref<2x5x128x64xf32, #tpu.memory_space<vmem>> -> memref<1x1x128x64xf32, #tpu.memory_space<vmem>>
      %dma_start3A_521 = tpu.memref_squeeze %dma_start3A_520 : memref<1x1x128x64xf32, #tpu.memory_space<vmem>> -> memref<128x64xf32, #tpu.memory_space<vmem>>
      %dma_start3A_522 = tpu.memref_slice %arg5[%mul3A_515] : memref<6400xi32, #tpu.memory_space<vmem>> -> memref<128xi32, #tpu.memory_space<vmem>>
      %dma_start3A_523 = arith.constant 0 : i32
      %dma_start3A_524 = arith.constant 0 : i32
      %dma_start3A_525 = tpu.memref_slice %arg2[%dma_start3A_523, %dma_start3A_524] : memref<1000000x64xf32, #tpu.memory_space<hbm>> -> memref<1000000x64xf32, #tpu.memory_space<hbm>>
      tpu.enqueue_indirect_dma source(%dma_start3A_525 : memref<1000000x64xf32, #tpu.memory_space<hbm>>) target(%dma_start3A_521 : memref<128x64xf32, #tpu.memory_space<vmem>>) offsets(%dma_start3A_522 : memref<128xi32, #tpu.memory_space<vmem>>) semaphore(%arg7 : memref<!tpu.dma_semaphore, #tpu.memory_space<semaphore_mem>>)
      %mul3A_526 = arith.constant 5 : i32
      %mul3A_527 = arith.muli %add3A_440, %mul3A_526 : i32
      %add3A_528 = arith.constant 0 : i32
      %add3A_529 = arith.addi %mul3A_527, %add3A_528 : i32
      %mul3A_530 = arith.constant 128 : i32
      %mul3A_531 = arith.muli %add3A_529, %mul3A_530 : i32
      %dma_wait3A_532 = arith.constant 1 : i32
      %dma_wait3A_533 = arith.constant 0 : i32
      %dma_wait3A_534 = arith.constant 0 : i32
      %dma_wait3A_535 = arith.constant 0 : i32
      %dma_wait3A_536 = tpu.memref_slice %arg6[%dma_wait3A_532, %dma_wait3A_533, %dma_wait3A_534, %dma_wait3A_535] : memref<2x5x128x64xf32, #tpu.memory_space<vmem>> -> memref<1x1x128x64xf32, #tpu.memory_space<vmem>>
      %dma_wait3A_537 = tpu.memref_squeeze %dma_wait3A_536 : memref<1x1x128x64xf32, #tpu.memory_space<vmem>> -> memref<128x64xf32, #tpu.memory_space<vmem>>
      %dma_wait3A_538 = tpu.memref_slice %arg5[%mul3A_531] : memref<6400xi32, #tpu.memory_space<vmem>> -> memref<128xi32, #tpu.memory_space<vmem>>
      %dma_wait3A_539 = arith.constant 0 : i32
      %dma_wait3A_540 = arith.constant 0 : i32
      %dma_wait3A_541 = tpu.memref_slice %arg2[%dma_wait3A_539, %dma_wait3A_540] : memref<1000000x64xf32, #tpu.memory_space<hbm>> -> memref<1000000x64xf32, #tpu.memory_space<hbm>>
      tpu.wait_indirect_dma semaphore(%arg7 : memref<!tpu.dma_semaphore, #tpu.memory_space<semaphore_mem>>) src(%dma_wait3A_541 : memref<1000000x64xf32, #tpu.memory_space<hbm>>) dst(%dma_wait3A_537 : memref<128x64xf32, #tpu.memory_space<vmem>>)
      %mul3A_542 = arith.constant 5 : i32
      %mul3A_543 = arith.muli %add3A_440, %mul3A_542 : i32
      %add3A_544 = arith.constant 1 : i32
      %add3A_545 = arith.addi %mul3A_543, %add3A_544 : i32
      %mul3A_546 = arith.constant 128 : i32
      %mul3A_547 = arith.muli %add3A_545, %mul3A_546 : i32
      %dma_wait3A_548 = arith.constant 1 : i32
      %dma_wait3A_549 = arith.constant 1 : i32
      %dma_wait3A_550 = arith.constant 0 : i32
      %dma_wait3A_551 = arith.constant 0 : i32
      %dma_wait3A_552 = tpu.memref_slice %arg6[%dma_wait3A_548, %dma_wait3A_549, %dma_wait3A_550, %dma_wait3A_551] : memref<2x5x128x64xf32, #tpu.memory_space<vmem>> -> memref<1x1x128x64xf32, #tpu.memory_space<vmem>>
      %dma_wait3A_553 = tpu.memref_squeeze %dma_wait3A_552 : memref<1x1x128x64xf32, #tpu.memory_space<vmem>> -> memref<128x64xf32, #tpu.memory_space<vmem>>
      %dma_wait3A_554 = tpu.memref_slice %arg5[%mul3A_547] : memref<6400xi32, #tpu.memory_space<vmem>> -> memref<128xi32, #tpu.memory_space<vmem>>
      %dma_wait3A_555 = arith.constant 0 : i32
      %dma_wait3A_556 = arith.constant 0 : i32
      %dma_wait3A_557 = tpu.memref_slice %arg2[%dma_wait3A_555, %dma_wait3A_556] : memref<1000000x64xf32, #tpu.memory_space<hbm>> -> memref<1000000x64xf32, #tpu.memory_space<hbm>>
      tpu.wait_indirect_dma semaphore(%arg7 : memref<!tpu.dma_semaphore, #tpu.memory_space<semaphore_mem>>) src(%dma_wait3A_557 : memref<1000000x64xf32, #tpu.memory_space<hbm>>) dst(%dma_wait3A_553 : memref<128x64xf32, #tpu.memory_space<vmem>>)
      %mul3A_558 = arith.constant 5 : i32
      %mul3A_559 = arith.muli %add3A_440, %mul3A_558 : i32
      %add3A_560 = arith.constant 2 : i32
      %add3A_561 = arith.addi %mul3A_559, %add3A_560 : i32
      %mul3A_562 = arith.constant 128 : i32
      %mul3A_563 = arith.muli %add3A_561, %mul3A_562 : i32
      %dma_wait3A_564 = arith.constant 1 : i32
      %dma_wait3A_565 = arith.constant 2 : i32
      %dma_wait3A_566 = arith.constant 0 : i32
      %dma_wait3A_567 = arith.constant 0 : i32
      %dma_wait3A_568 = tpu.memref_slice %arg6[%dma_wait3A_564, %dma_wait3A_565, %dma_wait3A_566, %dma_wait3A_567] : memref<2x5x128x64xf32, #tpu.memory_space<vmem>> -> memref<1x1x128x64xf32, #tpu.memory_space<vmem>>
      %dma_wait3A_569 = tpu.memref_squeeze %dma_wait3A_568 : memref<1x1x128x64xf32, #tpu.memory_space<vmem>> -> memref<128x64xf32, #tpu.memory_space<vmem>>
      %dma_wait3A_570 = tpu.memref_slice %arg5[%mul3A_563] : memref<6400xi32, #tpu.memory_space<vmem>> -> memref<128xi32, #tpu.memory_space<vmem>>
      %dma_wait3A_571 = arith.constant 0 : i32
      %dma_wait3A_572 = arith.constant 0 : i32
      %dma_wait3A_573 = tpu.memref_slice %arg2[%dma_wait3A_571, %dma_wait3A_572] : memref<1000000x64xf32, #tpu.memory_space<hbm>> -> memref<1000000x64xf32, #tpu.memory_space<hbm>>
      tpu.wait_indirect_dma semaphore(%arg7 : memref<!tpu.dma_semaphore, #tpu.memory_space<semaphore_mem>>) src(%dma_wait3A_573 : memref<1000000x64xf32, #tpu.memory_space<hbm>>) dst(%dma_wait3A_569 : memref<128x64xf32, #tpu.memory_space<vmem>>)
      %mul3A_574 = arith.constant 5 : i32
      %mul3A_575 = arith.muli %add3A_440, %mul3A_574 : i32
      %add3A_576 = arith.constant 3 : i32
      %add3A_577 = arith.addi %mul3A_575, %add3A_576 : i32
      %mul3A_578 = arith.constant 128 : i32
      %mul3A_579 = arith.muli %add3A_577, %mul3A_578 : i32
      %dma_wait3A_580 = arith.constant 1 : i32
      %dma_wait3A_581 = arith.constant 3 : i32
      %dma_wait3A_582 = arith.constant 0 : i32
      %dma_wait3A_583 = arith.constant 0 : i32
      %dma_wait3A_584 = tpu.memref_slice %arg6[%dma_wait3A_580, %dma_wait3A_581, %dma_wait3A_582, %dma_wait3A_583] : memref<2x5x128x64xf32, #tpu.memory_space<vmem>> -> memref<1x1x128x64xf32, #tpu.memory_space<vmem>>
      %dma_wait3A_585 = tpu.memref_squeeze %dma_wait3A_584 : memref<1x1x128x64xf32, #tpu.memory_space<vmem>> -> memref<128x64xf32, #tpu.memory_space<vmem>>
      %dma_wait3A_586 = tpu.memref_slice %arg5[%mul3A_579] : memref<6400xi32, #tpu.memory_space<vmem>> -> memref<128xi32, #tpu.memory_space<vmem>>
      %dma_wait3A_587 = arith.constant 0 : i32
      %dma_wait3A_588 = arith.constant 0 : i32
      %dma_wait3A_589 = tpu.memref_slice %arg2[%dma_wait3A_587, %dma_wait3A_588] : memref<1000000x64xf32, #tpu.memory_space<hbm>> -> memref<1000000x64xf32, #tpu.memory_space<hbm>>
      tpu.wait_indirect_dma semaphore(%arg7 : memref<!tpu.dma_semaphore, #tpu.memory_space<semaphore_mem>>) src(%dma_wait3A_589 : memref<1000000x64xf32, #tpu.memory_space<hbm>>) dst(%dma_wait3A_585 : memref<128x64xf32, #tpu.memory_space<vmem>>)
      %mul3A_590 = arith.constant 5 : i32
      %mul3A_591 = arith.muli %add3A_440, %mul3A_590 : i32
      %add3A_592 = arith.constant 4 : i32
      %add3A_593 = arith.addi %mul3A_591, %add3A_592 : i32
      %mul3A_594 = arith.constant 128 : i32
      %mul3A_595 = arith.muli %add3A_593, %mul3A_594 : i32
      %dma_wait3A_596 = arith.constant 1 : i32
      %dma_wait3A_597 = arith.constant 4 : i32
      %dma_wait3A_598 = arith.constant 0 : i32
      %dma_wait3A_599 = arith.constant 0 : i32
      %dma_wait3A_600 = tpu.memref_slice %arg6[%dma_wait3A_596, %dma_wait3A_597, %dma_wait3A_598, %dma_wait3A_599] : memref<2x5x128x64xf32, #tpu.memory_space<vmem>> -> memref<1x1x128x64xf32, #tpu.memory_space<vmem>>
      %dma_wait3A_601 = tpu.memref_squeeze %dma_wait3A_600 : memref<1x1x128x64xf32, #tpu.memory_space<vmem>> -> memref<128x64xf32, #tpu.memory_space<vmem>>
      %dma_wait3A_602 = tpu.memref_slice %arg5[%mul3A_595] : memref<6400xi32, #tpu.memory_space<vmem>> -> memref<128xi32, #tpu.memory_space<vmem>>
      %dma_wait3A_603 = arith.constant 0 : i32
      %dma_wait3A_604 = arith.constant 0 : i32
      %dma_wait3A_605 = tpu.memref_slice %arg2[%dma_wait3A_603, %dma_wait3A_604] : memref<1000000x64xf32, #tpu.memory_space<hbm>> -> memref<1000000x64xf32, #tpu.memory_space<hbm>>
      tpu.wait_indirect_dma semaphore(%arg7 : memref<!tpu.dma_semaphore, #tpu.memory_space<semaphore_mem>>) src(%dma_wait3A_605 : memref<1000000x64xf32, #tpu.memory_space<hbm>>) dst(%dma_wait3A_601 : memref<128x64xf32, #tpu.memory_space<vmem>>)
      %mul3A_606 = arith.constant 5 : i32
      %mul3A_607 = arith.muli %add3A_440, %mul3A_606 : i32
      %add3A_608 = arith.constant 0 : i32
      %add3A_609 = arith.addi %mul3A_607, %add3A_608 : i32
      %mul3A_610 = arith.constant 128 : i32
      %mul3A_611 = arith.muli %add3A_609, %mul3A_610 : i32
      %add3A_612 = arith.addi %mul3A_2, %mul3A_611 : i32
      %dma_start3A_613 = arith.constant 1 : i32
      %dma_start3A_614 = arith.constant 0 : i32
      %dma_start3A_615 = arith.constant 0 : i32
      %dma_start3A_616 = arith.constant 0 : i32
      %dma_start3A_617 = tpu.memref_slice %arg6[%dma_start3A_613, %dma_start3A_614, %dma_start3A_615, %dma_start3A_616] : memref<2x5x128x64xf32, #tpu.memory_space<vmem>> -> memref<1x1x128x64xf32, #tpu.memory_space<vmem>>
      %dma_start3A_618 = tpu.memref_squeeze %dma_start3A_617 : memref<1x1x128x64xf32, #tpu.memory_space<vmem>> -> memref<128x64xf32, #tpu.memory_space<vmem>>
      %dma_start3A_619 = arith.constant 0 : i32
      %dma_start3A_620 = tpu.memref_slice %arg4[%add3A_612, %dma_start3A_619] : memref<204800x64xf32, #tpu.memory_space<hbm>> -> memref<128x64xf32, #tpu.memory_space<hbm>>
      %dma_start3A_621 = arith.constant 0 : i32
      %dma_start3A_622 = tpu.memref_slice %arg4[%add3A_612, %dma_start3A_621] : memref<204800x64xf32, #tpu.memory_space<hbm>> -> memref<128x64xf32, #tpu.memory_space<hbm>>
      %dma_start3A_623 = arith.constant 0 : i32
      %dma_start3A_624 = arith.constant 0 : i32
      %dma_start3A_625 = tpu.memref_slice %arg6[%dma_start3A_613, %dma_start3A_614, %dma_start3A_623, %dma_start3A_624] : memref<2x5x128x64xf32, #tpu.memory_space<vmem>> -> memref<1x1x128x64xf32, #tpu.memory_space<vmem>>
      %dma_start3A_626 = tpu.memref_squeeze %dma_start3A_625 : memref<1x1x128x64xf32, #tpu.memory_space<vmem>> -> memref<128x64xf32, #tpu.memory_space<vmem>>
      tpu.enqueue_dma source(%dma_start3A_626 : memref<128x64xf32, #tpu.memory_space<vmem>>) target(%dma_start3A_622 : memref<128x64xf32, #tpu.memory_space<hbm>>) target_semaphore(%arg9 : memref<!tpu.dma_semaphore, #tpu.memory_space<semaphore_mem>>)
      %mul3A_627 = arith.constant 5 : i32
      %mul3A_628 = arith.muli %add3A_440, %mul3A_627 : i32
      %add3A_629 = arith.constant 1 : i32
      %add3A_630 = arith.addi %mul3A_628, %add3A_629 : i32
      %mul3A_631 = arith.constant 128 : i32
      %mul3A_632 = arith.muli %add3A_630, %mul3A_631 : i32
      %add3A_633 = arith.addi %mul3A_2, %mul3A_632 : i32
      %dma_start3A_634 = arith.constant 1 : i32
      %dma_start3A_635 = arith.constant 1 : i32
      %dma_start3A_636 = arith.constant 0 : i32
      %dma_start3A_637 = arith.constant 0 : i32
      %dma_start3A_638 = tpu.memref_slice %arg6[%dma_start3A_634, %dma_start3A_635, %dma_start3A_636, %dma_start3A_637] : memref<2x5x128x64xf32, #tpu.memory_space<vmem>> -> memref<1x1x128x64xf32, #tpu.memory_space<vmem>>
      %dma_start3A_639 = tpu.memref_squeeze %dma_start3A_638 : memref<1x1x128x64xf32, #tpu.memory_space<vmem>> -> memref<128x64xf32, #tpu.memory_space<vmem>>
      %dma_start3A_640 = arith.constant 0 : i32
      %dma_start3A_641 = tpu.memref_slice %arg4[%add3A_633, %dma_start3A_640] : memref<204800x64xf32, #tpu.memory_space<hbm>> -> memref<128x64xf32, #tpu.memory_space<hbm>>
      %dma_start3A_642 = arith.constant 0 : i32
      %dma_start3A_643 = tpu.memref_slice %arg4[%add3A_633, %dma_start3A_642] : memref<204800x64xf32, #tpu.memory_space<hbm>> -> memref<128x64xf32, #tpu.memory_space<hbm>>
      %dma_start3A_644 = arith.constant 0 : i32
      %dma_start3A_645 = arith.constant 0 : i32
      %dma_start3A_646 = tpu.memref_slice %arg6[%dma_start3A_634, %dma_start3A_635, %dma_start3A_644, %dma_start3A_645] : memref<2x5x128x64xf32, #tpu.memory_space<vmem>> -> memref<1x1x128x64xf32, #tpu.memory_space<vmem>>
      %dma_start3A_647 = tpu.memref_squeeze %dma_start3A_646 : memref<1x1x128x64xf32, #tpu.memory_space<vmem>> -> memref<128x64xf32, #tpu.memory_space<vmem>>
      tpu.enqueue_dma source(%dma_start3A_647 : memref<128x64xf32, #tpu.memory_space<vmem>>) target(%dma_start3A_643 : memref<128x64xf32, #tpu.memory_space<hbm>>) target_semaphore(%arg9 : memref<!tpu.dma_semaphore, #tpu.memory_space<semaphore_mem>>)
      %mul3A_648 = arith.constant 5 : i32
      %mul3A_649 = arith.muli %add3A_440, %mul3A_648 : i32
      %add3A_650 = arith.constant 2 : i32
      %add3A_651 = arith.addi %mul3A_649, %add3A_650 : i32
      %mul3A_652 = arith.constant 128 : i32
      %mul3A_653 = arith.muli %add3A_651, %mul3A_652 : i32
      %add3A_654 = arith.addi %mul3A_2, %mul3A_653 : i32
      %dma_start3A_655 = arith.constant 1 : i32
      %dma_start3A_656 = arith.constant 2 : i32
      %dma_start3A_657 = arith.constant 0 : i32
      %dma_start3A_658 = arith.constant 0 : i32
      %dma_start3A_659 = tpu.memref_slice %arg6[%dma_start3A_655, %dma_start3A_656, %dma_start3A_657, %dma_start3A_658] : memref<2x5x128x64xf32, #tpu.memory_space<vmem>> -> memref<1x1x128x64xf32, #tpu.memory_space<vmem>>
      %dma_start3A_660 = tpu.memref_squeeze %dma_start3A_659 : memref<1x1x128x64xf32, #tpu.memory_space<vmem>> -> memref<128x64xf32, #tpu.memory_space<vmem>>
      %dma_start3A_661 = arith.constant 0 : i32
      %dma_start3A_662 = tpu.memref_slice %arg4[%add3A_654, %dma_start3A_661] : memref<204800x64xf32, #tpu.memory_space<hbm>> -> memref<128x64xf32, #tpu.memory_space<hbm>>
      %dma_start3A_663 = arith.constant 0 : i32
      %dma_start3A_664 = tpu.memref_slice %arg4[%add3A_654, %dma_start3A_663] : memref<204800x64xf32, #tpu.memory_space<hbm>> -> memref<128x64xf32, #tpu.memory_space<hbm>>
      %dma_start3A_665 = arith.constant 0 : i32
      %dma_start3A_666 = arith.constant 0 : i32
      %dma_start3A_667 = tpu.memref_slice %arg6[%dma_start3A_655, %dma_start3A_656, %dma_start3A_665, %dma_start3A_666] : memref<2x5x128x64xf32, #tpu.memory_space<vmem>> -> memref<1x1x128x64xf32, #tpu.memory_space<vmem>>
      %dma_start3A_668 = tpu.memref_squeeze %dma_start3A_667 : memref<1x1x128x64xf32, #tpu.memory_space<vmem>> -> memref<128x64xf32, #tpu.memory_space<vmem>>
      tpu.enqueue_dma source(%dma_start3A_668 : memref<128x64xf32, #tpu.memory_space<vmem>>) target(%dma_start3A_664 : memref<128x64xf32, #tpu.memory_space<hbm>>) target_semaphore(%arg9 : memref<!tpu.dma_semaphore, #tpu.memory_space<semaphore_mem>>)
      %mul3A_669 = arith.constant 5 : i32
      %mul3A_670 = arith.muli %add3A_440, %mul3A_669 : i32
      %add3A_671 = arith.constant 3 : i32
      %add3A_672 = arith.addi %mul3A_670, %add3A_671 : i32
      %mul3A_673 = arith.constant 128 : i32
      %mul3A_674 = arith.muli %add3A_672, %mul3A_673 : i32
      %add3A_675 = arith.addi %mul3A_2, %mul3A_674 : i32
      %dma_start3A_676 = arith.constant 1 : i32
      %dma_start3A_677 = arith.constant 3 : i32
      %dma_start3A_678 = arith.constant 0 : i32
      %dma_start3A_679 = arith.constant 0 : i32
      %dma_start3A_680 = tpu.memref_slice %arg6[%dma_start3A_676, %dma_start3A_677, %dma_start3A_678, %dma_start3A_679] : memref<2x5x128x64xf32, #tpu.memory_space<vmem>> -> memref<1x1x128x64xf32, #tpu.memory_space<vmem>>
      %dma_start3A_681 = tpu.memref_squeeze %dma_start3A_680 : memref<1x1x128x64xf32, #tpu.memory_space<vmem>> -> memref<128x64xf32, #tpu.memory_space<vmem>>
      %dma_start3A_682 = arith.constant 0 : i32
      %dma_start3A_683 = tpu.memref_slice %arg4[%add3A_675, %dma_start3A_682] : memref<204800x64xf32, #tpu.memory_space<hbm>> -> memref<128x64xf32, #tpu.memory_space<hbm>>
      %dma_start3A_684 = arith.constant 0 : i32
      %dma_start3A_685 = tpu.memref_slice %arg4[%add3A_675, %dma_start3A_684] : memref<204800x64xf32, #tpu.memory_space<hbm>> -> memref<128x64xf32, #tpu.memory_space<hbm>>
      %dma_start3A_686 = arith.constant 0 : i32
      %dma_start3A_687 = arith.constant 0 : i32
      %dma_start3A_688 = tpu.memref_slice %arg6[%dma_start3A_676, %dma_start3A_677, %dma_start3A_686, %dma_start3A_687] : memref<2x5x128x64xf32, #tpu.memory_space<vmem>> -> memref<1x1x128x64xf32, #tpu.memory_space<vmem>>
      %dma_start3A_689 = tpu.memref_squeeze %dma_start3A_688 : memref<1x1x128x64xf32, #tpu.memory_space<vmem>> -> memref<128x64xf32, #tpu.memory_space<vmem>>
      tpu.enqueue_dma source(%dma_start3A_689 : memref<128x64xf32, #tpu.memory_space<vmem>>) target(%dma_start3A_685 : memref<128x64xf32, #tpu.memory_space<hbm>>) target_semaphore(%arg9 : memref<!tpu.dma_semaphore, #tpu.memory_space<semaphore_mem>>)
      %mul3A_690 = arith.constant 5 : i32
      %mul3A_691 = arith.muli %add3A_440, %mul3A_690 : i32
      %add3A_692 = arith.constant 4 : i32
      %add3A_693 = arith.addi %mul3A_691, %add3A_692 : i32
      %mul3A_694 = arith.constant 128 : i32
      %mul3A_695 = arith.muli %add3A_693, %mul3A_694 : i32
      %add3A_696 = arith.addi %mul3A_2, %mul3A_695 : i32
      %dma_start3A_697 = arith.constant 1 : i32
      %dma_start3A_698 = arith.constant 4 : i32
      %dma_start3A_699 = arith.constant 0 : i32
      %dma_start3A_700 = arith.constant 0 : i32
      %dma_start3A_701 = tpu.memref_slice %arg6[%dma_start3A_697, %dma_start3A_698, %dma_start3A_699, %dma_start3A_700] : memref<2x5x128x64xf32, #tpu.memory_space<vmem>> -> memref<1x1x128x64xf32, #tpu.memory_space<vmem>>
      %dma_start3A_702 = tpu.memref_squeeze %dma_start3A_701 : memref<1x1x128x64xf32, #tpu.memory_space<vmem>> -> memref<128x64xf32, #tpu.memory_space<vmem>>
      %dma_start3A_703 = arith.constant 0 : i32
      %dma_start3A_704 = tpu.memref_slice %arg4[%add3A_696, %dma_start3A_703] : memref<204800x64xf32, #tpu.memory_space<hbm>> -> memref<128x64xf32, #tpu.memory_space<hbm>>
      %dma_start3A_705 = arith.constant 0 : i32
      %dma_start3A_706 = tpu.memref_slice %arg4[%add3A_696, %dma_start3A_705] : memref<204800x64xf32, #tpu.memory_space<hbm>> -> memref<128x64xf32, #tpu.memory_space<hbm>>
      %dma_start3A_707 = arith.constant 0 : i32
      %dma_start3A_708 = arith.constant 0 : i32
      %dma_start3A_709 = tpu.memref_slice %arg6[%dma_start3A_697, %dma_start3A_698, %dma_start3A_707, %dma_start3A_708] : memref<2x5x128x64xf32, #tpu.memory_space<vmem>> -> memref<1x1x128x64xf32, #tpu.memory_space<vmem>>
      %dma_start3A_710 = tpu.memref_squeeze %dma_start3A_709 : memref<1x1x128x64xf32, #tpu.memory_space<vmem>> -> memref<128x64xf32, #tpu.memory_space<vmem>>
      tpu.enqueue_dma source(%dma_start3A_710 : memref<128x64xf32, #tpu.memory_space<vmem>>) target(%dma_start3A_706 : memref<128x64xf32, #tpu.memory_space<hbm>>) target_semaphore(%arg9 : memref<!tpu.dma_semaphore, #tpu.memory_space<semaphore_mem>>)
    }
    %scan3A_6 = arith.constant 5 : i32
    %add3A_7 = arith.constant 5120 : i32
    %add3A_8 = arith.addi %mul3A_2, %add3A_7 : i32
    %dma_wait3A = arith.constant 0 : i32
    %dma_wait3A_9 = arith.constant 0 : i32
    %dma_wait3A_10 = arith.constant 0 : i32
    %dma_wait3A_11 = arith.constant 0 : i32
    %dma_wait3A_12 = tpu.memref_slice %arg6[%dma_wait3A, %dma_wait3A_9, %dma_wait3A_10, %dma_wait3A_11] : memref<2x5x128x64xf32, #tpu.memory_space<vmem>> -> memref<1x1x128x64xf32, #tpu.memory_space<vmem>>
    %dma_wait3A_13 = tpu.memref_squeeze %dma_wait3A_12 : memref<1x1x128x64xf32, #tpu.memory_space<vmem>> -> memref<128x64xf32, #tpu.memory_space<vmem>>
    %dma_wait3A_14 = arith.constant 0 : i32
    %dma_wait3A_15 = tpu.memref_slice %arg4[%add3A_8, %dma_wait3A_14] : memref<204800x64xf32, #tpu.memory_space<hbm>> -> memref<128x64xf32, #tpu.memory_space<hbm>>
    %dma_wait3A_16 = arith.constant 0 : i32
    %dma_wait3A_17 = tpu.memref_slice %arg4[%add3A_8, %dma_wait3A_16] : memref<204800x64xf32, #tpu.memory_space<hbm>> -> memref<128x64xf32, #tpu.memory_space<hbm>>
    %dma_wait3A_18 = arith.constant 0 : i32
    %dma_wait3A_19 = arith.constant 0 : i32
    %dma_wait3A_20 = tpu.memref_slice %arg6[%dma_wait3A, %dma_wait3A_9, %dma_wait3A_18, %dma_wait3A_19] : memref<2x5x128x64xf32, #tpu.memory_space<vmem>> -> memref<1x1x128x64xf32, #tpu.memory_space<vmem>>
    %dma_wait3A_21 = tpu.memref_squeeze %dma_wait3A_20 : memref<1x1x128x64xf32, #tpu.memory_space<vmem>> -> memref<128x64xf32, #tpu.memory_space<vmem>>
    tpu.wait_dma2 semaphore(%arg8 : memref<!tpu.dma_semaphore, #tpu.memory_space<semaphore_mem>>) src(%dma_wait3A_21 : memref<128x64xf32, #tpu.memory_space<vmem>>) dst(%dma_wait3A_17 : memref<128x64xf32, #tpu.memory_space<hbm>>)
    %add3A_22 = arith.constant 5248 : i32
    %add3A_23 = arith.addi %mul3A_2, %add3A_22 : i32
    %dma_wait3A_24 = arith.constant 0 : i32
    %dma_wait3A_25 = arith.constant 1 : i32
    %dma_wait3A_26 = arith.constant 0 : i32
    %dma_wait3A_27 = arith.constant 0 : i32
    %dma_wait3A_28 = tpu.memref_slice %arg6[%dma_wait3A_24, %dma_wait3A_25, %dma_wait3A_26, %dma_wait3A_27] : memref<2x5x128x64xf32, #tpu.memory_space<vmem>> -> memref<1x1x128x64xf32, #tpu.memory_space<vmem>>
    %dma_wait3A_29 = tpu.memref_squeeze %dma_wait3A_28 : memref<1x1x128x64xf32, #tpu.memory_space<vmem>> -> memref<128x64xf32, #tpu.memory_space<vmem>>
    %dma_wait3A_30 = arith.constant 0 : i32
    %dma_wait3A_31 = tpu.memref_slice %arg4[%add3A_23, %dma_wait3A_30] : memref<204800x64xf32, #tpu.memory_space<hbm>> -> memref<128x64xf32, #tpu.memory_space<hbm>>
    %dma_wait3A_32 = arith.constant 0 : i32
    %dma_wait3A_33 = tpu.memref_slice %arg4[%add3A_23, %dma_wait3A_32] : memref<204800x64xf32, #tpu.memory_space<hbm>> -> memref<128x64xf32, #tpu.memory_space<hbm>>
    %dma_wait3A_34 = arith.constant 0 : i32
    %dma_wait3A_35 = arith.constant 0 : i32
    %dma_wait3A_36 = tpu.memref_slice %arg6[%dma_wait3A_24, %dma_wait3A_25, %dma_wait3A_34, %dma_wait3A_35] : memref<2x5x128x64xf32, #tpu.memory_space<vmem>> -> memref<1x1x128x64xf32, #tpu.memory_space<vmem>>
    %dma_wait3A_37 = tpu.memref_squeeze %dma_wait3A_36 : memref<1x1x128x64xf32, #tpu.memory_space<vmem>> -> memref<128x64xf32, #tpu.memory_space<vmem>>
    tpu.wait_dma2 semaphore(%arg8 : memref<!tpu.dma_semaphore, #tpu.memory_space<semaphore_mem>>) src(%dma_wait3A_37 : memref<128x64xf32, #tpu.memory_space<vmem>>) dst(%dma_wait3A_33 : memref<128x64xf32, #tpu.memory_space<hbm>>)
    %add3A_38 = arith.constant 5376 : i32
    %add3A_39 = arith.addi %mul3A_2, %add3A_38 : i32
    %dma_wait3A_40 = arith.constant 0 : i32
    %dma_wait3A_41 = arith.constant 2 : i32
    %dma_wait3A_42 = arith.constant 0 : i32
    %dma_wait3A_43 = arith.constant 0 : i32
    %dma_wait3A_44 = tpu.memref_slice %arg6[%dma_wait3A_40, %dma_wait3A_41, %dma_wait3A_42, %dma_wait3A_43] : memref<2x5x128x64xf32, #tpu.memory_space<vmem>> -> memref<1x1x128x64xf32, #tpu.memory_space<vmem>>
    %dma_wait3A_45 = tpu.memref_squeeze %dma_wait3A_44 : memref<1x1x128x64xf32, #tpu.memory_space<vmem>> -> memref<128x64xf32, #tpu.memory_space<vmem>>
    %dma_wait3A_46 = arith.constant 0 : i32
    %dma_wait3A_47 = tpu.memref_slice %arg4[%add3A_39, %dma_wait3A_46] : memref<204800x64xf32, #tpu.memory_space<hbm>> -> memref<128x64xf32, #tpu.memory_space<hbm>>
    %dma_wait3A_48 = arith.constant 0 : i32
    %dma_wait3A_49 = tpu.memref_slice %arg4[%add3A_39, %dma_wait3A_48] : memref<204800x64xf32, #tpu.memory_space<hbm>> -> memref<128x64xf32, #tpu.memory_space<hbm>>
    %dma_wait3A_50 = arith.constant 0 : i32
    %dma_wait3A_51 = arith.constant 0 : i32
    %dma_wait3A_52 = tpu.memref_slice %arg6[%dma_wait3A_40, %dma_wait3A_41, %dma_wait3A_50, %dma_wait3A_51] : memref<2x5x128x64xf32, #tpu.memory_space<vmem>> -> memref<1x1x128x64xf32, #tpu.memory_space<vmem>>
    %dma_wait3A_53 = tpu.memref_squeeze %dma_wait3A_52 : memref<1x1x128x64xf32, #tpu.memory_space<vmem>> -> memref<128x64xf32, #tpu.memory_space<vmem>>
    tpu.wait_dma2 semaphore(%arg8 : memref<!tpu.dma_semaphore, #tpu.memory_space<semaphore_mem>>) src(%dma_wait3A_53 : memref<128x64xf32, #tpu.memory_space<vmem>>) dst(%dma_wait3A_49 : memref<128x64xf32, #tpu.memory_space<hbm>>)
    %add3A_54 = arith.constant 5504 : i32
    %add3A_55 = arith.addi %mul3A_2, %add3A_54 : i32
    %dma_wait3A_56 = arith.constant 0 : i32
    %dma_wait3A_57 = arith.constant 3 : i32
    %dma_wait3A_58 = arith.constant 0 : i32
    %dma_wait3A_59 = arith.constant 0 : i32
    %dma_wait3A_60 = tpu.memref_slice %arg6[%dma_wait3A_56, %dma_wait3A_57, %dma_wait3A_58, %dma_wait3A_59] : memref<2x5x128x64xf32, #tpu.memory_space<vmem>> -> memref<1x1x128x64xf32, #tpu.memory_space<vmem>>
    %dma_wait3A_61 = tpu.memref_squeeze %dma_wait3A_60 : memref<1x1x128x64xf32, #tpu.memory_space<vmem>> -> memref<128x64xf32, #tpu.memory_space<vmem>>
    %dma_wait3A_62 = arith.constant 0 : i32
    %dma_wait3A_63 = tpu.memref_slice %arg4[%add3A_55, %dma_wait3A_62] : memref<204800x64xf32, #tpu.memory_space<hbm>> -> memref<128x64xf32, #tpu.memory_space<hbm>>
    %dma_wait3A_64 = arith.constant 0 : i32
    %dma_wait3A_65 = tpu.memref_slice %arg4[%add3A_55, %dma_wait3A_64] : memref<204800x64xf32, #tpu.memory_space<hbm>> -> memref<128x64xf32, #tpu.memory_space<hbm>>
    %dma_wait3A_66 = arith.constant 0 : i32
    %dma_wait3A_67 = arith.constant 0 : i32
    %dma_wait3A_68 = tpu.memref_slice %arg6[%dma_wait3A_56, %dma_wait3A_57, %dma_wait3A_66, %dma_wait3A_67] : memref<2x5x128x64xf32, #tpu.memory_space<vmem>> -> memref<1x1x128x64xf32, #tpu.memory_space<vmem>>
    %dma_wait3A_69 = tpu.memref_squeeze %dma_wait3A_68 : memref<1x1x128x64xf32, #tpu.memory_space<vmem>> -> memref<128x64xf32, #tpu.memory_space<vmem>>
    tpu.wait_dma2 semaphore(%arg8 : memref<!tpu.dma_semaphore, #tpu.memory_space<semaphore_mem>>) src(%dma_wait3A_69 : memref<128x64xf32, #tpu.memory_space<vmem>>) dst(%dma_wait3A_65 : memref<128x64xf32, #tpu.memory_space<hbm>>)
    %add3A_70 = arith.constant 5632 : i32
    %add3A_71 = arith.addi %mul3A_2, %add3A_70 : i32
    %dma_wait3A_72 = arith.constant 0 : i32
    %dma_wait3A_73 = arith.constant 4 : i32
    %dma_wait3A_74 = arith.constant 0 : i32
    %dma_wait3A_75 = arith.constant 0 : i32
    %dma_wait3A_76 = tpu.memref_slice %arg6[%dma_wait3A_72, %dma_wait3A_73, %dma_wait3A_74, %dma_wait3A_75] : memref<2x5x128x64xf32, #tpu.memory_space<vmem>> -> memref<1x1x128x64xf32, #tpu.memory_space<vmem>>
    %dma_wait3A_77 = tpu.memref_squeeze %dma_wait3A_76 : memref<1x1x128x64xf32, #tpu.memory_space<vmem>> -> memref<128x64xf32, #tpu.memory_space<vmem>>
    %dma_wait3A_78 = arith.constant 0 : i32
    %dma_wait3A_79 = tpu.memref_slice %arg4[%add3A_71, %dma_wait3A_78] : memref<204800x64xf32, #tpu.memory_space<hbm>> -> memref<128x64xf32, #tpu.memory_space<hbm>>
    %dma_wait3A_80 = arith.constant 0 : i32
    %dma_wait3A_81 = tpu.memref_slice %arg4[%add3A_71, %dma_wait3A_80] : memref<204800x64xf32, #tpu.memory_space<hbm>> -> memref<128x64xf32, #tpu.memory_space<hbm>>
    %dma_wait3A_82 = arith.constant 0 : i32
    %dma_wait3A_83 = arith.constant 0 : i32
    %dma_wait3A_84 = tpu.memref_slice %arg6[%dma_wait3A_72, %dma_wait3A_73, %dma_wait3A_82, %dma_wait3A_83] : memref<2x5x128x64xf32, #tpu.memory_space<vmem>> -> memref<1x1x128x64xf32, #tpu.memory_space<vmem>>
    %dma_wait3A_85 = tpu.memref_squeeze %dma_wait3A_84 : memref<1x1x128x64xf32, #tpu.memory_space<vmem>> -> memref<128x64xf32, #tpu.memory_space<vmem>>
    tpu.wait_dma2 semaphore(%arg8 : memref<!tpu.dma_semaphore, #tpu.memory_space<semaphore_mem>>) src(%dma_wait3A_85 : memref<128x64xf32, #tpu.memory_space<vmem>>) dst(%dma_wait3A_81 : memref<128x64xf32, #tpu.memory_space<hbm>>)
    %add3A_86 = arith.constant 5760 : i32
    %add3A_87 = arith.addi %mul3A_2, %add3A_86 : i32
    %dma_wait3A_88 = arith.constant 1 : i32
    %dma_wait3A_89 = arith.constant 0 : i32
    %dma_wait3A_90 = arith.constant 0 : i32
    %dma_wait3A_91 = arith.constant 0 : i32
    %dma_wait3A_92 = tpu.memref_slice %arg6[%dma_wait3A_88, %dma_wait3A_89, %dma_wait3A_90, %dma_wait3A_91] : memref<2x5x128x64xf32, #tpu.memory_space<vmem>> -> memref<1x1x128x64xf32, #tpu.memory_space<vmem>>
    %dma_wait3A_93 = tpu.memref_squeeze %dma_wait3A_92 : memref<1x1x128x64xf32, #tpu.memory_space<vmem>> -> memref<128x64xf32, #tpu.memory_space<vmem>>
    %dma_wait3A_94 = arith.constant 0 : i32
    %dma_wait3A_95 = tpu.memref_slice %arg4[%add3A_87, %dma_wait3A_94] : memref<204800x64xf32, #tpu.memory_space<hbm>> -> memref<128x64xf32, #tpu.memory_space<hbm>>
    %dma_wait3A_96 = arith.constant 0 : i32
    %dma_wait3A_97 = tpu.memref_slice %arg4[%add3A_87, %dma_wait3A_96] : memref<204800x64xf32, #tpu.memory_space<hbm>> -> memref<128x64xf32, #tpu.memory_space<hbm>>
    %dma_wait3A_98 = arith.constant 0 : i32
    %dma_wait3A_99 = arith.constant 0 : i32
    %dma_wait3A_100 = tpu.memref_slice %arg6[%dma_wait3A_88, %dma_wait3A_89, %dma_wait3A_98, %dma_wait3A_99] : memref<2x5x128x64xf32, #tpu.memory_space<vmem>> -> memref<1x1x128x64xf32, #tpu.memory_space<vmem>>
    %dma_wait3A_101 = tpu.memref_squeeze %dma_wait3A_100 : memref<1x1x128x64xf32, #tpu.memory_space<vmem>> -> memref<128x64xf32, #tpu.memory_space<vmem>>
    tpu.wait_dma2 semaphore(%arg9 : memref<!tpu.dma_semaphore, #tpu.memory_space<semaphore_mem>>) src(%dma_wait3A_101 : memref<128x64xf32, #tpu.memory_space<vmem>>) dst(%dma_wait3A_97 : memref<128x64xf32, #tpu.memory_space<hbm>>)
    %add3A_102 = arith.constant 5888 : i32
    %add3A_103 = arith.addi %mul3A_2, %add3A_102 : i32
    %dma_wait3A_104 = arith.constant 1 : i32
    %dma_wait3A_105 = arith.constant 1 : i32
    %dma_wait3A_106 = arith.constant 0 : i32
    %dma_wait3A_107 = arith.constant 0 : i32
    %dma_wait3A_108 = tpu.memref_slice %arg6[%dma_wait3A_104, %dma_wait3A_105, %dma_wait3A_106, %dma_wait3A_107] : memref<2x5x128x64xf32, #tpu.memory_space<vmem>> -> memref<1x1x128x64xf32, #tpu.memory_space<vmem>>
    %dma_wait3A_109 = tpu.memref_squeeze %dma_wait3A_108 : memref<1x1x128x64xf32, #tpu.memory_space<vmem>> -> memref<128x64xf32, #tpu.memory_space<vmem>>
    %dma_wait3A_110 = arith.constant 0 : i32
    %dma_wait3A_111 = tpu.memref_slice %arg4[%add3A_103, %dma_wait3A_110] : memref<204800x64xf32, #tpu.memory_space<hbm>> -> memref<128x64xf32, #tpu.memory_space<hbm>>
    %dma_wait3A_112 = arith.constant 0 : i32
    %dma_wait3A_113 = tpu.memref_slice %arg4[%add3A_103, %dma_wait3A_112] : memref<204800x64xf32, #tpu.memory_space<hbm>> -> memref<128x64xf32, #tpu.memory_space<hbm>>
    %dma_wait3A_114 = arith.constant 0 : i32
    %dma_wait3A_115 = arith.constant 0 : i32
    %dma_wait3A_116 = tpu.memref_slice %arg6[%dma_wait3A_104, %dma_wait3A_105, %dma_wait3A_114, %dma_wait3A_115] : memref<2x5x128x64xf32, #tpu.memory_space<vmem>> -> memref<1x1x128x64xf32, #tpu.memory_space<vmem>>
    %dma_wait3A_117 = tpu.memref_squeeze %dma_wait3A_116 : memref<1x1x128x64xf32, #tpu.memory_space<vmem>> -> memref<128x64xf32, #tpu.memory_space<vmem>>
    tpu.wait_dma2 semaphore(%arg9 : memref<!tpu.dma_semaphore, #tpu.memory_space<semaphore_mem>>) src(%dma_wait3A_117 : memref<128x64xf32, #tpu.memory_space<vmem>>) dst(%dma_wait3A_113 : memref<128x64xf32, #tpu.memory_space<hbm>>)
    %add3A_118 = arith.constant 6016 : i32
    %add3A_119 = arith.addi %mul3A_2, %add3A_118 : i32
    %dma_wait3A_120 = arith.constant 1 : i32
    %dma_wait3A_121 = arith.constant 2 : i32
    %dma_wait3A_122 = arith.constant 0 : i32
    %dma_wait3A_123 = arith.constant 0 : i32
    %dma_wait3A_124 = tpu.memref_slice %arg6[%dma_wait3A_120, %dma_wait3A_121, %dma_wait3A_122, %dma_wait3A_123] : memref<2x5x128x64xf32, #tpu.memory_space<vmem>> -> memref<1x1x128x64xf32, #tpu.memory_space<vmem>>
    %dma_wait3A_125 = tpu.memref_squeeze %dma_wait3A_124 : memref<1x1x128x64xf32, #tpu.memory_space<vmem>> -> memref<128x64xf32, #tpu.memory_space<vmem>>
    %dma_wait3A_126 = arith.constant 0 : i32
    %dma_wait3A_127 = tpu.memref_slice %arg4[%add3A_119, %dma_wait3A_126] : memref<204800x64xf32, #tpu.memory_space<hbm>> -> memref<128x64xf32, #tpu.memory_space<hbm>>
    %dma_wait3A_128 = arith.constant 0 : i32
    %dma_wait3A_129 = tpu.memref_slice %arg4[%add3A_119, %dma_wait3A_128] : memref<204800x64xf32, #tpu.memory_space<hbm>> -> memref<128x64xf32, #tpu.memory_space<hbm>>
    %dma_wait3A_130 = arith.constant 0 : i32
    %dma_wait3A_131 = arith.constant 0 : i32
    %dma_wait3A_132 = tpu.memref_slice %arg6[%dma_wait3A_120, %dma_wait3A_121, %dma_wait3A_130, %dma_wait3A_131] : memref<2x5x128x64xf32, #tpu.memory_space<vmem>> -> memref<1x1x128x64xf32, #tpu.memory_space<vmem>>
    %dma_wait3A_133 = tpu.memref_squeeze %dma_wait3A_132 : memref<1x1x128x64xf32, #tpu.memory_space<vmem>> -> memref<128x64xf32, #tpu.memory_space<vmem>>
    tpu.wait_dma2 semaphore(%arg9 : memref<!tpu.dma_semaphore, #tpu.memory_space<semaphore_mem>>) src(%dma_wait3A_133 : memref<128x64xf32, #tpu.memory_space<vmem>>) dst(%dma_wait3A_129 : memref<128x64xf32, #tpu.memory_space<hbm>>)
    %add3A_134 = arith.constant 6144 : i32
    %add3A_135 = arith.addi %mul3A_2, %add3A_134 : i32
    %dma_wait3A_136 = arith.constant 1 : i32
    %dma_wait3A_137 = arith.constant 3 : i32
    %dma_wait3A_138 = arith.constant 0 : i32
    %dma_wait3A_139 = arith.constant 0 : i32
    %dma_wait3A_140 = tpu.memref_slice %arg6[%dma_wait3A_136, %dma_wait3A_137, %dma_wait3A_138, %dma_wait3A_139] : memref<2x5x128x64xf32, #tpu.memory_space<vmem>> -> memref<1x1x128x64xf32, #tpu.memory_space<vmem>>
    %dma_wait3A_141 = tpu.memref_squeeze %dma_wait3A_140 : memref<1x1x128x64xf32, #tpu.memory_space<vmem>> -> memref<128x64xf32, #tpu.memory_space<vmem>>
    %dma_wait3A_142 = arith.constant 0 : i32
    %dma_wait3A_143 = tpu.memref_slice %arg4[%add3A_135, %dma_wait3A_142] : memref<204800x64xf32, #tpu.memory_space<hbm>> -> memref<128x64xf32, #tpu.memory_space<hbm>>
    %dma_wait3A_144 = arith.constant 0 : i32
    %dma_wait3A_145 = tpu.memref_slice %arg4[%add3A_135, %dma_wait3A_144] : memref<204800x64xf32, #tpu.memory_space<hbm>> -> memref<128x64xf32, #tpu.memory_space<hbm>>
    %dma_wait3A_146 = arith.constant 0 : i32
    %dma_wait3A_147 = arith.constant 0 : i32
    %dma_wait3A_148 = tpu.memref_slice %arg6[%dma_wait3A_136, %dma_wait3A_137, %dma_wait3A_146, %dma_wait3A_147] : memref<2x5x128x64xf32, #tpu.memory_space<vmem>> -> memref<1x1x128x64xf32, #tpu.memory_space<vmem>>
    %dma_wait3A_149 = tpu.memref_squeeze %dma_wait3A_148 : memref<1x1x128x64xf32, #tpu.memory_space<vmem>> -> memref<128x64xf32, #tpu.memory_space<vmem>>
    tpu.wait_dma2 semaphore(%arg9 : memref<!tpu.dma_semaphore, #tpu.memory_space<semaphore_mem>>) src(%dma_wait3A_149 : memref<128x64xf32, #tpu.memory_space<vmem>>) dst(%dma_wait3A_145 : memref<128x64xf32, #tpu.memory_space<hbm>>)
    %add3A_150 = arith.constant 6272 : i32
    %add3A_151 = arith.addi %mul3A_2, %add3A_150 : i32
    %dma_wait3A_152 = arith.constant 1 : i32
    %dma_wait3A_153 = arith.constant 4 : i32
    %dma_wait3A_154 = arith.constant 0 : i32
    %dma_wait3A_155 = arith.constant 0 : i32
    %dma_wait3A_156 = tpu.memref_slice %arg6[%dma_wait3A_152, %dma_wait3A_153, %dma_wait3A_154, %dma_wait3A_155] : memref<2x5x128x64xf32, #tpu.memory_space<vmem>> -> memref<1x1x128x64xf32, #tpu.memory_space<vmem>>
    %dma_wait3A_157 = tpu.memref_squeeze %dma_wait3A_156 : memref<1x1x128x64xf32, #tpu.memory_space<vmem>> -> memref<128x64xf32, #tpu.memory_space<vmem>>
    %dma_wait3A_158 = arith.constant 0 : i32
    %dma_wait3A_159 = tpu.memref_slice %arg4[%add3A_151, %dma_wait3A_158] : memref<204800x64xf32, #tpu.memory_space<hbm>> -> memref<128x64xf32, #tpu.memory_space<hbm>>
    %dma_wait3A_160 = arith.constant 0 : i32
    %dma_wait3A_161 = tpu.memref_slice %arg4[%add3A_151, %dma_wait3A_160] : memref<204800x64xf32, #tpu.memory_space<hbm>> -> memref<128x64xf32, #tpu.memory_space<hbm>>
    %dma_wait3A_162 = arith.constant 0 : i32
    %dma_wait3A_163 = arith.constant 0 : i32
    %dma_wait3A_164 = tpu.memref_slice %arg6[%dma_wait3A_152, %dma_wait3A_153, %dma_wait3A_162, %dma_wait3A_163] : memref<2x5x128x64xf32, #tpu.memory_space<vmem>> -> memref<1x1x128x64xf32, #tpu.memory_space<vmem>>
    %dma_wait3A_165 = tpu.memref_squeeze %dma_wait3A_164 : memref<1x1x128x64xf32, #tpu.memory_space<vmem>> -> memref<128x64xf32, #tpu.memory_space<vmem>>
    tpu.wait_dma2 semaphore(%arg9 : memref<!tpu.dma_semaphore, #tpu.memory_space<semaphore_mem>>) src(%dma_wait3A_165 : memref<128x64xf32, #tpu.memory_space<vmem>>) dst(%dma_wait3A_161 : memref<128x64xf32, #tpu.memory_space<hbm>>)
    return
  }
}

module attributes {stable_mosaic.version = 14 : i64} {
  func.func @body(%arg0: i32, %arg1: memref<200x1024xi32, #tpu.memory_space<vmem>>, %arg2: memref<1x8x200x1024xi32, #tpu.memory_space<vmem>>) attributes {dimension_semantics = [#tpu.dimension_semantics<arbitrary>], iteration_bounds = array<i64: 25>, scalar_prefetch = 0 : i64, scratch_operands = 0 : i64, tpu.core_type = #tpu.core_type<tc>, window_params = [{pipeline_mode = #tpu.pipeline_mode<synchronous>, transform_indices = @transform_0, window_bounds = array<i64: 200, 1024>}, {transform_indices = @transform_1, window_bounds = array<i64: 1, 8, 200, 1024>}]} {
    %get3A = arith.constant 0 : index
    %get3A_0 = arith.constant 0 : index
    %get3A_1 = vector.load %arg1[%get3A, %get3A_0] : memref<200x1024xi32, #tpu.memory_space<vmem>>, vector<200x1024xi32>
    %ne3A = arith.constant 0 : i32
    %ne3A_2 = vector.broadcast %ne3A : i32 to vector<200x1024xi32>
    %ne3A_3 = arith.cmpi ne, %get3A_1, %ne3A_2 : vector<200x1024xi32>
    %mul3A = arith.constant 8 : i32
    %mul3A_4 = arith.muli %arg0, %mul3A : i32
    %iota3A = tpu.iota {dimensions = array<i32: 1>} : vector<1x8x200x1024xi32>
    %add3A = vector.broadcast %mul3A_4 : i32 to vector<1x8x200x1024xi32>
    %add3A_5 = arith.addi %add3A, %iota3A : vector<1x8x200x1024xi32>
    %iota3A_6 = tpu.iota {dimensions = array<i32: 2>} : vector<1x8x200x1024xi32>
    %broadcast_in_dim3A = vector.shape_cast %ne3A_3 : vector<200x1024xi1> to vector<1x1x200x1024xi1>
    %le3A = arith.cmpi sle, %iota3A_6, %add3A_5 : vector<1x8x200x1024xi32>
    %and3A = vector.broadcast %broadcast_in_dim3A : vector<1x1x200x1024xi1> to vector<1x8x200x1024xi1>
    %and3A_7 = arith.andi %and3A, %le3A : vector<1x8x200x1024xi1>
    %swap3A = arith.constant 0 : index
    %swap3A_8 = arith.constant 0 : index
    %swap3A_9 = arith.constant 0 : index
    %swap3A_10 = arith.constant 0 : index
    %swap3A_11 = vector.load %arg2[%swap3A, %swap3A_8, %swap3A_9, %swap3A_10] : memref<1x8x200x1024xi32, #tpu.memory_space<vmem>>, vector<1x8x200x1024xi32>
    %swap3A_12 = arith.extui %and3A_7 : vector<1x8x200x1024xi1> to vector<1x8x200x1024xi32>
    %swap3A_13 = arith.constant dense<0> : vector<1x8x200x1024xi32>
    %swap3A_14 = arith.cmpi ne, %swap3A_11, %swap3A_13 : vector<1x8x200x1024xi32>
    tpu.vector_store %arg2[%swap3A, %swap3A_8, %swap3A_9, %swap3A_10], %swap3A_12 {strides = array<i32>} : memref<1x8x200x1024xi32, #tpu.memory_space<vmem>>, vector<1x8x200x1024xi32>,
    return
  }
  func.func @transform_0(%arg0: i32) -> (i32, i32) {
    %c0_i32 = arith.constant 0 : i32
    %c0_i32_0 = arith.constant 0 : i32
    %c0_i32_1 = arith.constant 0 : i32
    return %c0_i32, %c0_i32_0 : i32, i32
  }
  func.func @transform_1(%arg0: i32) -> (i32, i32, i32, i32) {
    %c0_i32 = arith.constant 0 : i32
    %c0_i32_0 = arith.constant 0 : i32
    %c0_i32_1 = arith.constant 0 : i32
    %c0_i32_2 = arith.constant 0 : i32
    return %c0_i32, %arg0, %c0_i32_0, %c0_i32_1 : i32, i32, i32, i32
  }
}

</mosaic_0001>

<sc_bundles>
// kernel: kernel.4.cloned.1.call-start
scs
__scs_entry_jumppad:
0x0: {  	(pc) =	sbr.rel $0x88, $3  }
0x1: {  	(tag) =	ssettag $0x0;
	lr =	simm.s32 $0x1  }
0x2: {  	[smem:$0x3F9F] =	sst lr;
	_ =	strace $0xD0000000  }
0x3: {  	_ = 	snop  }
0x4: {  	_ = 	snop  }
0x5: {  	_ = 	snop  }
0x6: {  	_ = 	snop  }
0x7: {  	_ = 	snop  }
__scs_overlays_trampoline_lowered:
0x8: {  	[smem:$0x3FAE] =	sst s0  }
0x9: {  	[smem:$0x3FAF] =	sst s1  }
0xa: {  	[smem:$0x3FB0] =	sst s2  }
0xb: {  	[smem:$0x3FB1] =	sst s3  }
0xc: {  	[smem:$0x3FB2] =	sst s4  }
0xd: {  	[smem:$0x3FB3] =	sst s5  }
0xe: {  	[smem:$0x3FB4] =	sst s6  }
0xf: {  	[smem:$0x3FB5] =	sst s7  }
0x10: {  	[smem:$0x3FB6] =	sst s8  }
0x11: {  	[smem:$0x3FB7] =	sst s9;
	s0 =	simm.s32 @!p0 $0x0  }
0x12: {  	s1 =	sld [smem:$0x3F9D];
	s0 =	simm.s32 @p0 $0x1  }
0x13: {  	[smem:$0x3FB8] =	sst s0;
	s0 =	simm.s32 @!p1 $0x0  }
0x14: {  	s2 =	sld [smem:$0x3F9C];
	s0 =	simm.s32 @p1 $0x1  }
0x15: {  	[smem:$0x3FB9] =	sst s0;
	s0 =	simm.s32 @!p2 $0x0  }
0x16: {  	s3 =	sld [smem:$0x3FDB];
	s0 =	simm.s32 @p2 $0x1  }
0x17: {  	s4 =	simm.s32 $0x1BF5;
	[smem:$0x3FBB] =	sst s0  }
0x18: {  	s0 =	sld [smem:$0x3F9E];
	_ =	swait.ge [sflag:s4], $0x0  }
0x19: {  	s7 =	sld [smem:$0x3F9F]  }
0x1a: {  	s8 =	sadd.s32 $0xFFFFE003, lr  }
0x1b: {  	s9 =	sadd.s32 $0xFFFFFEF7, lr;
	s5 =	simm.s32 $0xFFFFFFFF;
	p2 =	slt.u32 s8, $0xFFFFF086  }
0x1c: {  	p1 =	slt.u32 s9, $0xF7A;
	s5 =	simm.s32 @!p2 $0x0  }
0x1d: {  	s5 =	simm.s32 @p1 $0x1;
	p0 =	seq.s32 s7, s2  }
0x1e: {  	s7 =	smul.u32 @!p0 $0xF7A, s2;
	p2 =	seq.s32 @!p0 s5, $0x0  }
0x1f: {  	s9 =	smul.u32 $0xF7A, s1;
	s8 =	simm.s32 @!p0 $0x1BF5;
	p2 =	por !p2, p0  }
0x20: {  	[sflag:s8] =	ssyncset.s32 @!p0 $0xFFFFF086;
	s6 =	sadd.s32 @!p0 s3, s7;
	s7 =	simm.s32 @!p0 $0x108  }
0x21: {  	s3 =	sadd.s32 s3, s9;
	s6 =	sadd.s32 @!p0 $0x88, s6;
	s7 =	simm.s32 @p2 $0x1082  }
0x22: {  	[simem:s7], [sflag:s8] =	dma.local @!p0 [hbm:s6], $0xF7A  }
0x23: {  	s9 =	sor.u32 $0xD0000000, s2;
	s6 =	simm.s32 $0x108;
	_ =	swait.ge @!p0 [sflag:s8], $0x0  }
0x24: {  	s3 =	sadd.s32 $0x88, s3;
	s6 =	simm.s32 @!p1 $0x1082;
	[sflag:s4] =	ssyncset.s32 $0xFFFFF086  }
0x25: {  	[simem:s6], [sflag:s4] =	dma.local [hbm:s3], $0xF7A  }
0x26: {  	[smem:$0x3F9F] =	sst s1;
	(tag) =	ssettag s2;
	_ =	strace s9  }
0x27: {  	s1 =	sld [smem:$0x3FAF]  }
0x28: {  	s2 =	sld [smem:$0x3FB0]  }
0x29: {  	s4 =	sld [smem:$0x3FB2]  }
0x2a: {  	p0 =	seq.s32 s5, $0x0;
	s5 =	sld [smem:$0x3FB3]  }
0x2b: {  	s6 =	sld [smem:$0x3FB4]  }
0x2c: {  	s7 =	sld [smem:$0x3FB5]  }
0x2d: {  	s3 =	simm.s32 $0x108;
	s8 =	sld [smem:$0x3FB6]  }
0x2e: {  	s3 =	simm.s32 @!p0 $0x1082;
	s9 =	sld [smem:$0x3FB7]  }
0x2f: {  	lr =	sadd.s32 s0, s3;
	s0 =	sld [smem:$0x3FAE]  }
0x30: {  	s3 =	sld [smem:$0x3FB1]  }
0x31: {  	[smem:$0x3FBA] =	sst s10  }
0x32: {  	s10 =	sld [smem:$0x3FB8];
	_ =	sdelay $0x3  }
0x33: {  	p0 =	seq.s32 s10, $0x1;
	s10 =	sld [smem:$0x3FBA];
	_ =	sdelay $0x3  }
0x34: {  	[smem:$0x3FBA] =	sst s10  }
0x35: {  	s10 =	sld [smem:$0x3FB9];
	_ =	sdelay $0x3  }
0x36: {  	p1 =	seq.s32 s10, $0x1;
	s10 =	sld [smem:$0x3FBA];
	_ =	sdelay $0x3  }
0x37: {  	[smem:$0x3FBA] =	sst s10  }
0x38: {  	s10 =	sld [smem:$0x3FBB]  }
0x39: {  	_ = 	snop;
	(pc) =	sbr.ind lr, $3  }
0x3a: {  	_ = 	snop  }
0x3b: {  	_ = 	snop  }
0x3c: {  	p2 =	seq.s32 s10, $0x1;
	s10 =	sld [smem:$0x3FBA]  }
0x3d: {  	_ =	shalt  }
0x3e: {  	_ =	shalt  }
0x3f: {  	_ =	shalt  }
0x40: {  	_ =	shalt  }
0x41: {  	_ =	shalt  }
0x42: {  	_ =	shalt  }
0x43: {  	_ =	shalt  }
0x44: {  	_ =	shalt  }
0x45: {  	_ =	shalt  }
0x46: {  	_ =	shalt  }
0x47: {  	_ =	shalt  }
0x48: {  	_ =	shalt  }
0x49: {  	_ =	shalt  }
0x4a: {  	_ =	shalt  }
0x4b: {  	_ =	shalt  }
0x4c: {  	_ =	shalt  }
0x4d: {  	_ =	shalt  }
0x4e: {  	_ =	shalt  }
0x4f: {  	_ =	shalt  }
0x50: {  	_ =	shalt  }
0x51: {  	_ =	shalt  }
0x52: {  	_ =	shalt  }
0x53: {  	_ =	shalt  }
0x54: {  	_ =	shalt  }
0x55: {  	_ =	shalt  }
0x56: {  	_ =	shalt  }
0x57: {  	_ =	shalt  }
0x58: {  	_ =	shalt  }
0x59: {  	_ =	shalt  }
0x5a: {  	_ =	shalt  }
0x5b: {  	_ =	shalt  }
0x5c: {  	_ =	shalt  }
0x5d: {  	_ =	shalt  }
0x5e: {  	_ =	shalt  }
0x5f: {  	_ =	shalt  }
0x60: {  	_ =	shalt  }
0x61: {  	_ =	shalt  }
0x62: {  	_ =	shalt  }
0x63: {  	_ =	shalt  }
0x64: {  	_ =	shalt  }
0x65: {  	_ =	shalt  }
0x66: {  	_ =	shalt  }
0x67: {  	_ =	shalt  }
0x68: {  	_ =	shalt  }
0x69: {  	_ =	shalt  }
0x6a: {  	_ =	shalt  }
0x6b: {  	_ =	shalt  }
0x6c: {  	_ =	shalt  }
0x6d: {  	_ =	shalt  }
0x6e: {  	_ =	shalt  }
0x6f: {  	_ =	shalt  }
0x70: {  	_ =	shalt  }
0x71: {  	_ =	shalt  }
0x72: {  	_ =	shalt  }
0x73: {  	_ =	shalt  }
0x74: {  	_ =	shalt  }
0x75: {  	_ =	shalt  }
0x76: {  	_ =	shalt  }
0x77: {  	_ =	shalt  }
0x78: {  	_ =	shalt  }
0x79: {  	_ =	shalt  }
0x7a: {  	_ =	shalt  }
0x7b: {  	_ =	shalt  }
0x7c: {  	_ =	shalt  }
0x7d: {  	_ =	shalt  }
0x7e: {  	_ =	shalt  }
0x7f: {  	_ =	shalt  }
0x80: {  	_ =	shalt  }
0x81: {  	_ =	shalt  }
0x82: {  	_ =	shalt  }
0x83: {  	_ =	shalt  }
0x84: {  	_ =	shalt  }
0x85: {  	_ =	shalt  }
0x86: {  	_ =	shalt  }
0x87: {  	_ =	shalt  }
.Lfunc_end0:
.L_simem_size_0:
called_computation.1_lowered:
.L_overlay_start_0:
0x88: {  	s2 =	sld [smem:$0x3FD9]  }
0x89: {  	s3 =	sld [smem:$0x3FFE];
	_ =	sdelay $0x1  }
0x8a: {  	s1 =	srdreg.scid  }
0x8b: {  	s0 =	sand.u32 $0x1, s1  }
0x8c: {  	s14 =	sshll.u32 s0, $0xA;
	s2 =	sadd.s32 s3, s2  }
0x8d: {  	s2 =	sadd.s32 s2, s14  }
0x8e: {  	[smem:$0x3FC6] =	sst s2  }
0x8f: {  	_ = 	snop  }
0x90: {  	s2 =	sld [smem:$0x3FD0];
	_ =	sdelay $0x2  }
0x91: {  	s15 =	simm.s32 $0xA;
	s4 =	simm.s32 $0x10  }
0x92: {  	[smem:s4], [sflag:s15] =	dma.local [hbm:s2], $0x1  }
0x93: {  	_ =	swait.eq [sflag:s15], $0x1  }
0x94: {  	[sflag:s15] =	ssyncset.done $0x0  }
0x95: {  	s16 =	sld [smem:$0x10];
	[sflag:s15] =	ssyncadd.s32 $0xFFFFFFFF  }
0x96: {  	s17 =	sld [smem:$0x11];
	(tm) =	ssettm $0x1  }
0x97: {  	s18 =	sld [smem:$0x3FFB];
	_ =	sdelay $0x3  }
0x98: {  	_ =	strace s18  }
0x99: {  	s4 =	sld [smem:$0x3FFC];
	_ =	sdelay $0x3  }
0x9a: {  	_ =	strace s4  }
0x9b: {  	s4 =	sld [smem:$0x3FFD];
	_ =	sdelay $0x3  }
0x9c: {  	_ =	strace s4  }
0x9d: {  	_ =	strace $0x8FFFFFFF  }
0x9e: {  	s19 =	sld [smem:$0x3FDB];
	_ =	sdelay $0x1  }
0x9f: {  	s5 =	simm.s32 $_scs_section_size  }
0xa0: {  	s6 =	simm.s32 $_size__tile_overlayer_lowered;
	s7 =	simm.s32 $_tile_overlayer_lowered  }
0xa1: {  	s22 =	simm.s32 $0x1BFF;
	s21 =	sshll.u32 s7, $0x1;
	s4 =	sadd.s32 s5, s19  }
0xa2: {  	s8 =	simm.s32 $0x0;
	s20 =	sshll.u32 s6, $0x1;
	s6 =	sadd.s32 s21, s4  }
0xa3: {  	[timem:s8], [sflag:s22] =	dma.local [hbm:s6], s20  }
0xa4: {  	_ =	swait.ge [sflag:s22], s20  }
0xa5: {  	s5 =	ssub.s32 $0x0, s20;
	[sflag:s22] =	ssyncset.done $0x0  }
0xa6: {  	[sflag:s22] =	ssyncadd.s32 s5;
	_ =	sdelay $0x1  }
0xa7: {  	s23 =	simm.s32 $0x1B8B  }
0xa8: {  	_ =	swait.ge [sflag:s23], $0x1  }
0xa9: {  	[sflag:s23] =	ssyncset.done $0x0  }
0xaa: {  	s25 =	simm.s32 $0x1B8E;
	s24 =	sld [smem:$0x3FFE];
	[sflag:s23] =	ssyncadd.s32 $0xFFFFFFFF  }
0xab: {  	s26 =	simm.s32 $execute0_lowered;
	[smem:$0x3FD2] =	sst s25  }
0xac: {  	s6 =	sshll.u32 s26, $0x1;
	_ =	strace $0x80000046;
	[dreg:$0x1] =	wrdreg $0xFFFFFFFF  }
0xad: {  	s28 =	simm.s32 $_size_execute0_lowered;
	s4 =	sadd.s32 s4, s6;
	[dreg:$0x0] =	wrdreg $0x0  }
0xae: {  	s6 =	sshll.u32 s28, $0x1;
	[dreg:$0x2] =	wrdreg s4  }
0xaf: {  	[dreg:$0x3] =	wrdreg s6  }
0xb0: {  	[dreg:$0x4] =	wrdreg $0xC0  }
0xb1: {  	_ =	task [dreg:s8], $0x5FFFF  }
0xb2: {  	[dreg:$0x1] =	wrdreg $0xFFFFFFFF  }
0xb3: {  	[dreg:$0x0] =	wrdreg $0x60  }
0xb4: {  	[dreg:$0x2] =	wrdreg s24  }
0xb5: {  	[dreg:$0x3] =	wrdreg s17  }
0xb6: {  	[dreg:$0x4] =	wrdreg s16  }
0xb7: {  	[dreg:$0x5] =	wrdreg $0x9  }
0xb8: {  	_ =	task.clear_ibuf [dreg:s8], $0x6FFFF;
	_ =	strace $0x90000046  }
0xb9: {  	s29 =	simm.s32 $0x9;
	_ =	strace $0x80000048  }
0xba: {  	_ =	swait.ge [sflag:s29], $0x1  }
0xbb: {  	[sflag:s29] =	ssyncadd.s32 $0xFFFFFFFF  }
0xbc: {  	_ =	strace $0x90000048  }
0xbd: {  	_ =	sfence  }
0xbe: {  	s30 =	sld [smem:$0x0];
	_ =	sdelay $0x2  }
0xbf: {  	s31 =	sshll.u32 s1, $0xD;
	s1 =	sshrl.u32 s1, $0x2  }
0xc0: {  	s3 =	sand.u32 $0x4000, s31;
	s1 =	sadd.s32 s1, s30  }
0xc1: {  	s0 =	sor.u32 s3, s0;
	s1 =	sshll.u32 s1, $0x11  }
0xc2: {  	s0 =	sor.u32 s1, s0  }
0xc3: {  	s0 =	sadd.s32 $0x8F2B, s0  }
0xc4: {  	[sflag:s0] =	ssyncadd.remote.s32 $0x1  }
0xc5: {  	_ =	sfence.sel $0xFFFF  }
0xc6: {  	[dreg:$0x0] =	wrdreg $0xFFFFFFFF;
	(pc) =	sbr.abs _section_cstart, $3  }
0xc7: {  	[dreg:$0x1] =	wrdreg $0xFFFFFFFF  }
0xc8: {  	_ =	task.clear_ibuf [dreg:s8], $0x2FFFF;
	_ =	strace $0x9FFFFFFF  }
0xc9: {  	(tm) =	ssettm $0x7FFFFFFF  }
tec
execute0_lowered:
.L_overlay_start_1:
0x0: {  	(tag) =	ssettag $0x1  }
0x1: {  	s1 =	srdreg.scid;
	s3 =	rddreg [dreg:$0x0]  }
0x2: {  	s0 =	stileid.u32;
	s6 =	rddreg [dreg:$0x1]  }
0x3: {  	s8 =	rddreg [dreg:$0x2];
	s2 =	simm.s32 $0x0;
	s13 =	simm.s32 $0x1  }
0x4: {  	s14 =	simm.s32 $0xB900;
	s15 =	simm.s32 $0xD900;
	s16 =	simm.s32 $0xF900  }
0x5: {  	s17 =	simm.s32 $0x11900;
	s4 =	sand.u32 $0x1, s1;
	s5 =	smul.u32 $0x3200, s0  }
0x6: {  	s18 =	simm.s32 $0x13900;
	s1 =	rddreg [dreg:$0x3];
	s7 =	smul.u32 $0x1900, s4  }
0x7: {  	s19 =	simm.s32 $0x2;
	[smem:$0x7FF] =	sst s2;
	s3 =	sadd.s32 $0xF43000, s3  }
0x8: {  	s11 =	sshll.u32 s0, $0x1;
	s29 =	smul.u32 $0x19000, s0;
	s5 =	sadd.s32 s7, s5  }
0x9: {  	_ =	strace $0x80000047;
	s20 =	ssub.s32 $0x2, s4;
	s5 =	sshll.u32 s5, $0x3  }
0xa: {  	s11 =	sor.u32 s4, s11;
	s12 =	smul.u32 $0xC800, s4;
	s5 =	sadd.s32 s5, s8  }
0xb: {  	s9 =	sshrl.u32 s20, $0x1;
	s11 =	smul.u32 $0x1900, s11;
	s10 =	sadd.s32 $0x1400, s5  }
0xc: {  	s7 =	ssub.s32 s20, s9;
	s21 =	sadd.s32 $0x1800, s5;
	[dreg:$0x4] =	wrdreg s10  }
0xd: {  	s9 =	simm.s32 $0x3900;
	s22 =	sadd.s32 $0x1C00, s5;
	[dreg:$0x5] =	wrdreg s21  }
0xe: {  	s20 =	simm.s32 $0x3;
	s23 =	sadd.s32 $0x2000, s5;
	[dreg:$0x6] =	wrdreg s22  }
0xf: {  	s25 =	sshrl.u32 s11, $0x3;
	s24 =	sadd.s32 $0x2400, s5;
	[dreg:$0x7] =	wrdreg s23  }
0x10: {  	s11 =	simm.s32 $0x7900;
	s26 =	sadd.s32 $0x1000, s5;
	[dreg:$0x8] =	wrdreg s24  }
0x11: {  	s8 =	sadd.s32 s29, s8;
	s28 =	sadd.s32 $0xC00, s5;
	[dreg:$0x9] =	wrdreg s26  }
0x12: {  	s4 =	sadd.s32 s6, s25;
	s30 =	sadd.s32 $0x800, s5;
	[dreg:$0xa] =	wrdreg s28  }
0x13: {  	s6 =	simm.s32 $0x4;
	s5 =	sadd.s32 $0x400, s5;
	[dreg:$0xb] =	wrdreg s30  }
0x14: {  	s31 =	sadd.s32 s12, s8;
	s8 =	simm.s32 $0x1900;
	[dreg:$0xc] =	wrdreg s5  }
0x15: {  	s12 =	simm.s32 $0x9900;
	s5 =	smax.u32 s7, $0x1;
	[dreg:$0xd] =	wrdreg s31  }
0x16: {  	s7 =	simm.s32 $0x80;
	s10 =	simm.s32 $0x5900;
	s21 =	simm.s32 $0x0  }
.LBB2_1:
0x17: {  	[tilespmem:s2], [sflag:$0x4] =	stream.linear.gather [hbm4b:s4+s2], $0x1900, $0x38;
	[tilespmem:$0x15900] =	vst v63  }
0x18: {  	p0 =	por $0x1, $0x1;
	_ =	swait.ge [sflag:s6], $0x1900  }
0x19: {  	p0 =	por p0, p0;
	[sflag:s6] =	ssyncset.done $0x0  }
0x1a: {  	s22 =	simm.s32 @!p0 $0x2;
	[sflag:s6] =	ssyncadd.s32 $0xFFFFE700  }
0x1b: {  	_ =	swait.ge @!p0 [sflag:s22], $0x2000  }
0x1c: {  	[sflag:s22] =	ssyncset.done @!p0 $0x0  }
0x1d: {  	[sflag:s22] =	ssyncadd.s32 @!p0 $0xFFFFE000  }
0x1e: {  	_ =	swait.ge @!p0 [sflag:s22], $0x2000  }
0x1f: {  	[sflag:s22] =	ssyncset.done @!p0 $0x0  }
0x20: {  	[sflag:s22] =	ssyncadd.s32 @!p0 $0xFFFFE000  }
0x21: {  	_ =	swait.ge @!p0 [sflag:s22], $0x2000  }
0x22: {  	[sflag:s22] =	ssyncset.done @!p0 $0x0  }
0x23: {  	[sflag:s22] =	ssyncadd.s32 @!p0 $0xFFFFE000  }
0x24: {  	_ =	swait.ge @!p0 [sflag:s22], $0x2000  }
0x25: {  	[sflag:s22] =	ssyncset.done @!p0 $0x0  }
0x26: {  	[sflag:s22] =	ssyncadd.s32 @!p0 $0xFFFFE000  }
0x27: {  	_ =	swait.ge @!p0 [sflag:s22], $0x2000  }
0x28: {  	[sflag:s22] =	ssyncset.done @!p0 $0x0  }
0x29: {  	s23 =	simm.s32 $0x0;
	[sflag:s22] =	ssyncadd.s32 @!p0 $0xFFFFE000  }
0x2a: {  	[tilespmem:s8], [sflag:$0x1] =	stream.indirect.gather [hbm4b:s3+s7], $0x40, s23, s7, $0xb8;
	[tilespmem:$0x15900] =	vst v63  }
0x2b: {  	s24 =	simm.s32 $0x80  }
0x2c: {  	[tilespmem:s9], [sflag:$0x1] =	stream.indirect.gather [hbm4b:s3+s7], $0x40, s24, s7, $0xb8;
	[tilespmem:$0x15900] =	vst v63  }
0x2d: {  	s25 =	simm.s32 $0x100  }
0x2e: {  	[tilespmem:s10], [sflag:$0x1] =	stream.indirect.gather [hbm4b:s3+s7], $0x40, s25, s7, $0xb8;
	[tilespmem:$0x15900] =	vst v63  }
0x2f: {  	s26 =	simm.s32 $0x180  }
0x30: {  	[tilespmem:s11], [sflag:$0x1] =	stream.indirect.gather [hbm4b:s3+s7], $0x40, s26, s7, $0xb8;
	[tilespmem:$0x15900] =	vst v63  }
0x31: {  	s28 =	simm.s32 $0x200  }
0x32: {  	[tilespmem:s12], [sflag:$0x1] =	stream.indirect.gather [hbm4b:s3+s7], $0x40, s28, s7, $0xb8;
	[tilespmem:$0x15900] =	vst v63  }
0x33: {  	_ =	swait.ge [sflag:s13], $0x2000  }
0x34: {  	[sflag:s13] =	ssyncset.done $0x0  }
0x35: {  	[sflag:s13] =	ssyncadd.s32 $0xFFFFE000  }
0x36: {  	_ =	swait.ge [sflag:s13], $0x2000  }
0x37: {  	[sflag:s13] =	ssyncset.done $0x0  }
0x38: {  	[sflag:s13] =	ssyncadd.s32 $0xFFFFE000  }
0x39: {  	_ =	swait.ge [sflag:s13], $0x2000  }
0x3a: {  	[sflag:s13] =	ssyncset.done $0x0  }
0x3b: {  	[sflag:s13] =	ssyncadd.s32 $0xFFFFE000  }
0x3c: {  	_ =	swait.ge [sflag:s13], $0x2000  }
0x3d: {  	[sflag:s13] =	ssyncset.done $0x0  }
0x3e: {  	[sflag:s13] =	ssyncadd.s32 $0xFFFFE000  }
0x3f: {  	_ =	swait.ge [sflag:s13], $0x2000  }
0x40: {  	s29 =	rddreg [dreg:$0xd];
	[sflag:s13] =	ssyncset.done $0x0  }
0x41: {  	s23 =	rddreg [dreg:$0xc];
	[sflag:s13] =	ssyncadd.s32 $0xFFFFE000;
	s22 =	sadd.s32 $0x0, s29  }
0x42: {  	[hbm4b:s22+s2] =	stream.linear.scatter [tilespmem:s8], [sflag:$0x2], $0x2000, $0x38;
	[tilespmem:$0x15900] =	vst v63  }
0x43: {  	s24 =	rddreg [dreg:$0xb];
	s30 =	sadd.s32 $0x0, s23  }
0x44: {  	[hbm4b:s30+s2] =	stream.linear.scatter [tilespmem:s9], [sflag:$0x2], $0x2000, $0x38;
	[tilespmem:$0x15900] =	vst v63  }
0x45: {  	s31 =	rddreg [dreg:$0xa];
	s24 =	sadd.s32 $0x0, s24  }
0x46: {  	[hbm4b:s24+s2] =	stream.linear.scatter [tilespmem:s10], [sflag:$0x2], $0x2000, $0x38;
	[tilespmem:$0x15900] =	vst v63  }
0x47: {  	s25 =	rddreg [dreg:$0x9];
	s26 =	sadd.s32 $0x0, s31  }
0x48: {  	[hbm4b:s26+s2] =	stream.linear.scatter [tilespmem:s11], [sflag:$0x2], $0x2000, $0x38;
	[tilespmem:$0x15900] =	vst v63  }
0x49: {  	s28 =	sadd.s32 $0x0, s25;
	s23 =	simm.s32 @!p0 $0x3  }
0x4a: {  	[hbm4b:s28+s2] =	stream.linear.scatter [tilespmem:s12], [sflag:$0x2], $0x2000, $0x38;
	[tilespmem:$0x15900] =	vst v63  }
0x4b: {  	_ =	swait.ge @!p0 [sflag:s23], $0x2000  }
0x4c: {  	[sflag:s23] =	ssyncset.done @!p0 $0x0  }
0x4d: {  	[sflag:s23] =	ssyncadd.s32 @!p0 $0xFFFFE000  }
0x4e: {  	_ =	swait.ge @!p0 [sflag:s23], $0x2000  }
0x4f: {  	[sflag:s23] =	ssyncset.done @!p0 $0x0  }
0x50: {  	[sflag:s23] =	ssyncadd.s32 @!p0 $0xFFFFE000  }
0x51: {  	_ =	swait.ge @!p0 [sflag:s23], $0x2000  }
0x52: {  	[sflag:s23] =	ssyncset.done @!p0 $0x0  }
0x53: {  	[sflag:s23] =	ssyncadd.s32 @!p0 $0xFFFFE000  }
0x54: {  	_ =	swait.ge @!p0 [sflag:s23], $0x2000  }
0x55: {  	[sflag:s23] =	ssyncset.done @!p0 $0x0  }
0x56: {  	[sflag:s23] =	ssyncadd.s32 @!p0 $0xFFFFE000  }
0x57: {  	_ =	swait.ge @!p0 [sflag:s23], $0x2000  }
0x58: {  	[sflag:s23] =	ssyncset.done @!p0 $0x0  }
0x59: {  	s29 =	simm.s32 $0x280;
	[sflag:s23] =	ssyncadd.s32 @!p0 $0xFFFFE000  }
0x5a: {  	[tilespmem:s14], [sflag:$0x1] =	stream.indirect.gather [hbm4b:s3+s7], $0x40, s29, s7, $0xb8;
	[tilespmem:$0x15900] =	vst v63  }
0x5b: {  	s30 =	simm.s32 $0x300  }
0x5c: {  	[tilespmem:s15], [sflag:$0x1] =	stream.indirect.gather [hbm4b:s3+s7], $0x40, s30, s7, $0xb8;
	[tilespmem:$0x15900] =	vst v63  }
0x5d: {  	s31 =	simm.s32 $0x380  }
0x5e: {  	[tilespmem:s16], [sflag:$0x1] =	stream.indirect.gather [hbm4b:s3+s7], $0x40, s31, s7, $0xb8;
	[tilespmem:$0x15900] =	vst v63  }
0x5f: {  	s23 =	simm.s32 $0x400  }
0x60: {  	[tilespmem:s17], [sflag:$0x1] =	stream.indirect.gather [hbm4b:s3+s7], $0x40, s23, s7, $0xb8;
	[tilespmem:$0x15900] =	vst v63  }
0x61: {  	s24 =	simm.s32 $0x480  }
0x62: {  	[tilespmem:s18], [sflag:$0x1] =	stream.indirect.gather [hbm4b:s3+s7], $0x40, s24, s7, $0xb8;
	[tilespmem:$0x15900] =	vst v63  }
0x63: {  	_ =	swait.ge [sflag:s13], $0x2000  }
0x64: {  	[sflag:s13] =	ssyncset.done $0x0  }
0x65: {  	[sflag:s13] =	ssyncadd.s32 $0xFFFFE000  }
0x66: {  	_ =	swait.ge [sflag:s13], $0x2000  }
0x67: {  	[sflag:s13] =	ssyncset.done $0x0  }
0x68: {  	[sflag:s13] =	ssyncadd.s32 $0xFFFFE000  }
0x69: {  	_ =	swait.ge [sflag:s13], $0x2000  }
0x6a: {  	[sflag:s13] =	ssyncset.done $0x0  }
0x6b: {  	[sflag:s13] =	ssyncadd.s32 $0xFFFFE000  }
0x6c: {  	_ =	swait.ge [sflag:s13], $0x2000  }
0x6d: {  	[sflag:s13] =	ssyncset.done $0x0  }
0x6e: {  	[sflag:s13] =	ssyncadd.s32 $0xFFFFE000  }
0x6f: {  	_ =	swait.ge [sflag:s13], $0x2000  }
0x70: {  	s25 =	rddreg [dreg:$0x4];
	[sflag:s13] =	ssyncset.done $0x0  }
0x71: {  	s26 =	rddreg [dreg:$0x5];
	[sflag:s13] =	ssyncadd.s32 $0xFFFFE000;
	s22 =	sadd.s32 $0x0, s25  }
0x72: {  	[hbm4b:s22+s2] =	stream.linear.scatter [tilespmem:s14], [sflag:$0x3], $0x2000, $0x38;
	[tilespmem:$0x15900] =	vst v63  }
0x73: {  	p6 =	por $0x0, $0x0;
	s28 =	rddreg [dreg:$0x6];
	s23 =	sadd.s32 $0x0, s26  }
0x74: {  	[hbm4b:s23+s2] =	stream.linear.scatter [tilespmem:s15], [sflag:$0x3], $0x2000, $0x38;
	[tilespmem:$0x15900] =	vst v63  }
0x75: {  	p0 =	por p6, p6;
	s29 =	rddreg [dreg:$0x7];
	s30 =	sadd.s32 $0x0, s28  }
0x76: {  	[hbm4b:s30+s2] =	stream.linear.scatter [tilespmem:s16], [sflag:$0x3], $0x2000, $0x38;
	[tilespmem:$0x15900] =	vst v63  }
0x77: {  	s24 =	simm.s32 $0x5000;
	s31 =	rddreg [dreg:$0x8];
	s22 =	sadd.s32 $0x0, s29  }
0x78: {  	[hbm4b:s22+s2] =	stream.linear.scatter [tilespmem:s17], [sflag:$0x3], $0x2000, $0x38;
	[tilespmem:$0x15900] =	vst v63  }
0x79: {  	s26 =	sadd.s32 $0x0, s31;
	s23 =	simm.s32 $0x780;
	s22 =	simm.s32 $0x2800  }
.LBB2_2:
0x7a: {  	[hbm4b:s26+s2] =	stream.linear.scatter [tilespmem:s18], [sflag:$0x3], $0x2000, $0x38;
	[tilespmem:$0x15900] =	vst v63  }
0x7b: {  	s26 =	simm.s32 @!p0 $0x2  }
0x7c: {  	_ =	swait.ge @!p0 [sflag:s26], $0x2000  }
0x7d: {  	[sflag:s26] =	ssyncset.done @!p0 $0x0  }
0x7e: {  	[sflag:s26] =	ssyncadd.s32 @!p0 $0xFFFFE000  }
0x7f: {  	_ =	swait.ge @!p0 [sflag:s26], $0x2000  }
0x80: {  	[sflag:s26] =	ssyncset.done @!p0 $0x0  }
0x81: {  	[sflag:s26] =	ssyncadd.s32 @!p0 $0xFFFFE000  }
0x82: {  	_ =	swait.ge @!p0 [sflag:s26], $0x2000  }
0x83: {  	[sflag:s26] =	ssyncset.done @!p0 $0x0  }
0x84: {  	[sflag:s26] =	ssyncadd.s32 @!p0 $0xFFFFE000  }
0x85: {  	_ =	swait.ge @!p0 [sflag:s26], $0x2000  }
0x86: {  	[sflag:s26] =	ssyncset.done @!p0 $0x0  }
0x87: {  	[sflag:s26] =	ssyncadd.s32 @!p0 $0xFFFFE000  }
0x88: {  	_ =	swait.ge @!p0 [sflag:s26], $0x2000  }
0x89: {  	[sflag:s26] =	ssyncset.done @!p0 $0x0  }
0x8a: {  	s29 =	sadd.s32 $0xFFFFFD80, s23;
	[sflag:s26] =	ssyncadd.s32 @!p0 $0xFFFFE000  }
0x8b: {  	[tilespmem:s8], [sflag:$0x1] =	stream.indirect.gather [hbm4b:s3+s7], $0x40, s29, s7, $0xb8;
	[tilespmem:$0x15900] =	vst v63  }
0x8c: {  	s30 =	sadd.s32 $0xFFFFFE00, s23  }
0x8d: {  	[tilespmem:s9], [sflag:$0x1] =	stream.indirect.gather [hbm4b:s3+s7], $0x40, s30, s7, $0xb8;
	[tilespmem:$0x15900] =	vst v63  }
0x8e: {  	s31 =	sadd.s32 $0xFFFFFE80, s23  }
0x8f: {  	[tilespmem:s10], [sflag:$0x1] =	stream.indirect.gather [hbm4b:s3+s7], $0x40, s31, s7, $0xb8;
	[tilespmem:$0x15900] =	vst v63  }
0x90: {  	s28 =	sadd.s32 $0xFFFFFF00, s23  }
0x91: {  	[tilespmem:s11], [sflag:$0x1] =	stream.indirect.gather [hbm4b:s3+s7], $0x40, s28, s7, $0xb8;
	[tilespmem:$0x15900] =	vst v63  }
0x92: {  	s29 =	sadd.s32 $0xFFFFFF80, s23  }
0x93: {  	[tilespmem:s12], [sflag:$0x1] =	stream.indirect.gather [hbm4b:s3+s7], $0x40, s29, s7, $0xb8;
	[tilespmem:$0x15900] =	vst v63  }
0x94: {  	_ =	swait.ge [sflag:s13], $0x2000  }
0x95: {  	[sflag:s13] =	ssyncset.done $0x0  }
0x96: {  	[sflag:s13] =	ssyncadd.s32 $0xFFFFE000  }
0x97: {  	_ =	swait.ge [sflag:s13], $0x2000  }
0x98: {  	[sflag:s13] =	ssyncset.done $0x0  }
0x99: {  	[sflag:s13] =	ssyncadd.s32 $0xFFFFE000  }
0x9a: {  	_ =	swait.ge [sflag:s13], $0x2000  }
0x9b: {  	[sflag:s13] =	ssyncset.done $0x0  }
0x9c: {  	[sflag:s13] =	ssyncadd.s32 $0xFFFFE000  }
0x9d: {  	_ =	swait.ge [sflag:s13], $0x2000  }
0x9e: {  	[sflag:s13] =	ssyncset.done $0x0  }
0x9f: {  	[sflag:s13] =	ssyncadd.s32 $0xFFFFE000  }
0xa0: {  	_ =	swait.ge [sflag:s13], $0x2000  }
0xa1: {  	s30 =	rddreg [dreg:$0xd];
	[sflag:s13] =	ssyncset.done $0x0  }
0xa2: {  	s28 =	rddreg [dreg:$0xc];
	[sflag:s13] =	ssyncadd.s32 $0xFFFFE000;
	s26 =	sadd.s32 s22, s30  }
0xa3: {  	[hbm4b:s26+s2] =	stream.linear.scatter [tilespmem:s8], [sflag:$0x2], $0x2000, $0x38;
	[tilespmem:$0x15900] =	vst v63  }
0xa4: {  	s29 =	rddreg [dreg:$0xb];
	s31 =	sadd.s32 s22, s28  }
0xa5: {  	[hbm4b:s31+s2] =	stream.linear.scatter [tilespmem:s9], [sflag:$0x2], $0x2000, $0x38;
	[tilespmem:$0x15900] =	vst v63  }
0xa6: {  	s28 =	rddreg [dreg:$0xa];
	s30 =	sadd.s32 s22, s29  }
0xa7: {  	[hbm4b:s30+s2] =	stream.linear.scatter [tilespmem:s10], [sflag:$0x2], $0x2000, $0x38;
	[tilespmem:$0x15900] =	vst v63  }
0xa8: {  	s28 =	sadd.s32 s22, s28;
	s31 =	rddreg [dreg:$0x9]  }
0xa9: {  	[hbm4b:s28+s2] =	stream.linear.scatter [tilespmem:s11], [sflag:$0x2], $0x2000, $0x38;
	[tilespmem:$0x15900] =	vst v63  }
0xaa: {  	s29 =	sadd.s32 s22, s31;
	s28 =	simm.s32 @!p0 $0x3  }
0xab: {  	[hbm4b:s29+s2] =	stream.linear.scatter [tilespmem:s12], [sflag:$0x2], $0x2000, $0x38;
	[tilespmem:$0x15900] =	vst v63  }
0xac: {  	_ =	swait.ge @!p0 [sflag:s28], $0x2000  }
0xad: {  	[sflag:s28] =	ssyncset.done @!p0 $0x0  }
0xae: {  	[sflag:s28] =	ssyncadd.s32 @!p0 $0xFFFFE000  }
0xaf: {  	_ =	swait.ge @!p0 [sflag:s28], $0x2000  }
0xb0: {  	[sflag:s28] =	ssyncset.done @!p0 $0x0  }
0xb1: {  	[sflag:s28] =	ssyncadd.s32 @!p0 $0xFFFFE000  }
0xb2: {  	_ =	swait.ge @!p0 [sflag:s28], $0x2000  }
0xb3: {  	[sflag:s28] =	ssyncset.done @!p0 $0x0  }
0xb4: {  	[sflag:s28] =	ssyncadd.s32 @!p0 $0xFFFFE000  }
0xb5: {  	_ =	swait.ge @!p0 [sflag:s28], $0x2000  }
0xb6: {  	[sflag:s28] =	ssyncset.done @!p0 $0x0  }
0xb7: {  	[sflag:s28] =	ssyncadd.s32 @!p0 $0xFFFFE000  }
0xb8: {  	_ =	swait.ge @!p0 [sflag:s28], $0x2000  }
0xb9: {  	[sflag:s28] =	ssyncset.done @!p0 $0x0  }
0xba: {  	[sflag:s28] =	ssyncadd.s32 @!p0 $0xFFFFE000  }
0xbb: {  	[tilespmem:s14], [sflag:$0x1] =	stream.indirect.gather [hbm4b:s3+s7], $0x40, s23, s7, $0xb8;
	[tilespmem:$0x15900] =	vst v63  }
0xbc: {  	s30 =	sadd.s32 $0x80, s23  }
0xbd: {  	[tilespmem:s15], [sflag:$0x1] =	stream.indirect.gather [hbm4b:s3+s7], $0x40, s30, s7, $0xb8;
	[tilespmem:$0x15900] =	vst v63  }
0xbe: {  	s31 =	sadd.s32 $0x100, s23  }
0xbf: {  	[tilespmem:s16], [sflag:$0x1] =	stream.indirect.gather [hbm4b:s3+s7], $0x40, s31, s7, $0xb8;
	[tilespmem:$0x15900] =	vst v63  }
0xc0: {  	s28 =	sadd.s32 $0x180, s23  }
0xc1: {  	[tilespmem:s17], [sflag:$0x1] =	stream.indirect.gather [hbm4b:s3+s7], $0x40, s28, s7, $0xb8;
	[tilespmem:$0x15900] =	vst v63  }
0xc2: {  	s29 =	sadd.s32 $0x200, s23  }
0xc3: {  	[tilespmem:s18], [sflag:$0x1] =	stream.indirect.gather [hbm4b:s3+s7], $0x40, s29, s7, $0xb8;
	[tilespmem:$0x15900] =	vst v63  }
0xc4: {  	_ =	swait.ge [sflag:s13], $0x2000  }
0xc5: {  	[sflag:s13] =	ssyncset.done $0x0  }
0xc6: {  	[sflag:s13] =	ssyncadd.s32 $0xFFFFE000  }
0xc7: {  	_ =	swait.ge [sflag:s13], $0x2000  }
0xc8: {  	[sflag:s13] =	ssyncset.done $0x0  }
0xc9: {  	[sflag:s13] =	ssyncadd.s32 $0xFFFFE000  }
0xca: {  	_ =	swait.ge [sflag:s13], $0x2000  }
0xcb: {  	[sflag:s13] =	ssyncset.done $0x0  }
0xcc: {  	[sflag:s13] =	ssyncadd.s32 $0xFFFFE000  }
0xcd: {  	_ =	swait.ge [sflag:s13], $0x2000  }
0xce: {  	[sflag:s13] =	ssyncset.done $0x0  }
0xcf: {  	[sflag:s13] =	ssyncadd.s32 $0xFFFFE000  }
0xd0: {  	s25 =	smov.u32 s24;
	s24 =	sadd.s32 $0x2800, s24;
	_ =	swait.ge [sflag:s13], $0x2000  }
0xd1: {  	p2 =	seq.s32 s25, $0x0;
	s30 =	rddreg [dreg:$0x4];
	[sflag:s13] =	ssyncset.done $0x0  }
0xd2: {  	s31 =	rddreg [dreg:$0x5];
	[sflag:s13] =	ssyncadd.s32 $0xFFFFE000;
	s26 =	sadd.s32 s22, s30  }
0xd3: {  	[hbm4b:s26+s2] =	stream.linear.scatter [tilespmem:s14], [sflag:$0x3], $0x2000, $0x38;
	[tilespmem:$0x15900] =	vst v63  }
0xd4: {  	p1 =	sne.s32 s24, $0xC800;
	s29 =	rddreg [dreg:$0x6];
	s31 =	sadd.s32 s22, s31  }
0xd5: {  	[hbm4b:s31+s2] =	stream.linear.scatter [tilespmem:s15], [sflag:$0x3], $0x2000, $0x38;
	[tilespmem:$0x15900] =	vst v63  }
.Ltmp0:
0xd6: {  	p0 =	por p2, p2;
	s28 =	rddreg [dreg:$0x8];
	(pc) =	sbr.rel @p1 .LBB2_2-.Ltmp0, $4  }
0xd7: {  	s23 =	sadd.s32 $0x500, s23;
	s30 =	rddreg [dreg:$0x7];
	s29 =	sadd.s32 s22, s29  }
0xd8: {  	[hbm4b:s29+s2] =	stream.linear.scatter [tilespmem:s16], [sflag:$0x3], $0x2000, $0x38;
	[tilespmem:$0x15900] =	vst v63  }
0xd9: {  	s26 =	sadd.s32 s22, s28;
	s31 =	sadd.s32 s22, s30;
	s22 =	smov.u32 s25  }
0xda: {  	[hbm4b:s31+s2] =	stream.linear.scatter [tilespmem:s17], [sflag:$0x3], $0x2000, $0x38;
	[tilespmem:$0x15900] =	vst v63  }
0xdb: {  	[hbm4b:s26+s2] =	stream.linear.scatter [tilespmem:s18], [sflag:$0x3], $0x2000, $0x38;
	[tilespmem:$0x15900] =	vst v63  }
0xdc: {  	s24 =	simm.s32 @!p0 $0x2  }
0xdd: {  	_ =	swait.ge @!p0 [sflag:s24], $0x2000  }
0xde: {  	[sflag:s24] =	ssyncset.done @!p0 $0x0  }
0xdf: {  	[sflag:s24] =	ssyncadd.s32 @!p0 $0xFFFFE000  }
0xe0: {  	_ =	swait.ge @!p0 [sflag:s24], $0x2000  }
0xe1: {  	[sflag:s24] =	ssyncset.done @!p0 $0x0  }
0xe2: {  	[sflag:s24] =	ssyncadd.s32 @!p0 $0xFFFFE000  }
0xe3: {  	_ =	swait.ge @!p0 [sflag:s24], $0x2000  }
0xe4: {  	[sflag:s24] =	ssyncset.done @!p0 $0x0  }
0xe5: {  	[sflag:s24] =	ssyncadd.s32 @!p0 $0xFFFFE000  }
0xe6: {  	_ =	swait.ge @!p0 [sflag:s24], $0x2000  }
0xe7: {  	[sflag:s24] =	ssyncset.done @!p0 $0x0  }
0xe8: {  	[sflag:s24] =	ssyncadd.s32 @!p0 $0xFFFFE000  }
0xe9: {  	_ =	swait.ge @!p0 [sflag:s24], $0x2000  }
0xea: {  	[sflag:s24] =	ssyncset.done @!p0 $0x0  }
0xeb: {  	s31 =	sadd.s32 $0xFFFFFD80, s23;
	[sflag:s24] =	ssyncadd.s32 @!p0 $0xFFFFE000  }
0xec: {  	[tilespmem:s8], [sflag:$0x1] =	stream.indirect.gather [hbm4b:s3+s7], $0x40, s31, s7, $0xb8;
	[tilespmem:$0x15900] =	vst v63  }
0xed: {  	s25 =	sadd.s32 $0xFFFFFE00, s23  }
0xee: {  	[tilespmem:s9], [sflag:$0x1] =	stream.indirect.gather [hbm4b:s3+s7], $0x40, s25, s7, $0xb8;
	[tilespmem:$0x15900] =	vst v63  }
0xef: {  	s26 =	sadd.s32 $0xFFFFFE80, s23  }
0xf0: {  	[tilespmem:s10], [sflag:$0x1] =	stream.indirect.gather [hbm4b:s3+s7], $0x40, s26, s7, $0xb8;
	[tilespmem:$0x15900] =	vst v63  }
0xf1: {  	s28 =	sadd.s32 $0xFFFFFF00, s23  }
0xf2: {  	[tilespmem:s11], [sflag:$0x1] =	stream.indirect.gather [hbm4b:s3+s7], $0x40, s28, s7, $0xb8;
	[tilespmem:$0x15900] =	vst v63  }
0xf3: {  	s29 =	sadd.s32 $0xFFFFFF80, s23  }
0xf4: {  	[tilespmem:s12], [sflag:$0x1] =	stream.indirect.gather [hbm4b:s3+s7], $0x40, s29, s7, $0xb8;
	[tilespmem:$0x15900] =	vst v63  }
0xf5: {  	_ =	swait.ge [sflag:s13], $0x2000  }
0xf6: {  	[sflag:s13] =	ssyncset.done $0x0  }
0xf7: {  	[sflag:s13] =	ssyncadd.s32 $0xFFFFE000  }
0xf8: {  	_ =	swait.ge [sflag:s13], $0x2000  }
0xf9: {  	[sflag:s13] =	ssyncset.done $0x0  }
0xfa: {  	[sflag:s13] =	ssyncadd.s32 $0xFFFFE000  }
0xfb: {  	_ =	swait.ge [sflag:s13], $0x2000  }
0xfc: {  	[sflag:s13] =	ssyncset.done $0x0  }
0xfd: {  	[sflag:s13] =	ssyncadd.s32 $0xFFFFE000  }
0xfe: {  	_ =	swait.ge [sflag:s13], $0x2000  }
0xff: {  	[sflag:s13] =	ssyncset.done $0x0  }
0x100: {  	[sflag:s13] =	ssyncadd.s32 $0xFFFFE000  }
0x101: {  	_ =	swait.ge [sflag:s13], $0x2000  }
0x102: {  	s30 =	rddreg [dreg:$0xd];
	[sflag:s13] =	ssyncset.done $0x0  }
0x103: {  	s25 =	rddreg [dreg:$0xc];
	[sflag:s13] =	ssyncadd.s32 $0xFFFFE000;
	s24 =	sadd.s32 s22, s30  }
0x104: {  	[hbm4b:s24+s2] =	stream.linear.scatter [tilespmem:s8], [sflag:$0x2], $0x2000, $0x38;
	[tilespmem:$0x15900] =	vst v63  }
0x105: {  	s31 =	rddreg [dreg:$0xb];
	s28 =	sadd.s32 s22, s25  }
0x106: {  	[hbm4b:s28+s2] =	stream.linear.scatter [tilespmem:s9], [sflag:$0x2], $0x2000, $0x38;
	[tilespmem:$0x15900] =	vst v63  }
0x107: {  	s29 =	rddreg [dreg:$0xa];
	s30 =	sadd.s32 s22, s31  }
0x108: {  	[hbm4b:s30+s2] =	stream.linear.scatter [tilespmem:s10], [sflag:$0x2], $0x2000, $0x38;
	[tilespmem:$0x15900] =	vst v63  }
0x109: {  	s31 =	rddreg [dreg:$0x9];
	s25 =	sadd.s32 s22, s29  }
0x10a: {  	[hbm4b:s25+s2] =	stream.linear.scatter [tilespmem:s11], [sflag:$0x2], $0x2000, $0x38;
	[tilespmem:$0x15900] =	vst v63  }
0x10b: {  	s28 =	sadd.s32 s22, s31;
	s25 =	simm.s32 @!p0 $0x3  }
0x10c: {  	[hbm4b:s28+s2] =	stream.linear.scatter [tilespmem:s12], [sflag:$0x2], $0x2000, $0x38;
	[tilespmem:$0x15900] =	vst v63  }
0x10d: {  	_ =	swait.ge @!p0 [sflag:s25], $0x2000  }
0x10e: {  	[sflag:s25] =	ssyncset.done @!p0 $0x0  }
0x10f: {  	[sflag:s25] =	ssyncadd.s32 @!p0 $0xFFFFE000  }
0x110: {  	_ =	swait.ge @!p0 [sflag:s25], $0x2000  }
0x111: {  	[sflag:s25] =	ssyncset.done @!p0 $0x0  }
0x112: {  	[sflag:s25] =	ssyncadd.s32 @!p0 $0xFFFFE000  }
0x113: {  	_ =	swait.ge @!p0 [sflag:s25], $0x2000  }
0x114: {  	[sflag:s25] =	ssyncset.done @!p0 $0x0  }
0x115: {  	[sflag:s25] =	ssyncadd.s32 @!p0 $0xFFFFE000  }
0x116: {  	_ =	swait.ge @!p0 [sflag:s25], $0x2000  }
0x117: {  	[sflag:s25] =	ssyncset.done @!p0 $0x0  }
0x118: {  	[sflag:s25] =	ssyncadd.s32 @!p0 $0xFFFFE000  }
0x119: {  	_ =	swait.ge @!p0 [sflag:s25], $0x2000  }
0x11a: {  	[sflag:s25] =	ssyncset.done @!p0 $0x0  }
0x11b: {  	[sflag:s25] =	ssyncadd.s32 @!p0 $0xFFFFE000  }
0x11c: {  	[tilespmem:s14], [sflag:$0x1] =	stream.indirect.gather [hbm4b:s3+s7], $0x40, s23, s7, $0xb8;
	[tilespmem:$0x15900] =	vst v63  }
0x11d: {  	s29 =	sadd.s32 $0x80, s23  }
0x11e: {  	[tilespmem:s15], [sflag:$0x1] =	stream.indirect.gather [hbm4b:s3+s7], $0x40, s29, s7, $0xb8;
	[tilespmem:$0x15900] =	vst v63  }
0x11f: {  	s30 =	sadd.s32 $0x100, s23  }
0x120: {  	[tilespmem:s16], [sflag:$0x1] =	stream.indirect.gather [hbm4b:s3+s7], $0x40, s30, s7, $0xb8;
	[tilespmem:$0x15900] =	vst v63  }
0x121: {  	s31 =	sadd.s32 $0x180, s23  }
0x122: {  	[tilespmem:s17], [sflag:$0x1] =	stream.indirect.gather [hbm4b:s3+s7], $0x40, s31, s7, $0xb8;
	[tilespmem:$0x15900] =	vst v63  }
0x123: {  	s24 =	sadd.s32 $0x200, s23  }
0x124: {  	[tilespmem:s18], [sflag:$0x1] =	stream.indirect.gather [hbm4b:s3+s7], $0x40, s24, s7, $0xb8;
	[tilespmem:$0x15900] =	vst v63  }
0x125: {  	_ =	swait.ge [sflag:s13], $0x2000  }
0x126: {  	[sflag:s13] =	ssyncset.done $0x0  }
0x127: {  	[sflag:s13] =	ssyncadd.s32 $0xFFFFE000  }
0x128: {  	_ =	swait.ge [sflag:s13], $0x2000  }
0x129: {  	[sflag:s13] =	ssyncset.done $0x0  }
0x12a: {  	[sflag:s13] =	ssyncadd.s32 $0xFFFFE000  }
0x12b: {  	_ =	swait.ge [sflag:s13], $0x2000  }
0x12c: {  	[sflag:s13] =	ssyncset.done $0x0  }
0x12d: {  	[sflag:s13] =	ssyncadd.s32 $0xFFFFE000  }
0x12e: {  	_ =	swait.ge [sflag:s13], $0x2000  }
0x12f: {  	[sflag:s13] =	ssyncset.done $0x0  }
0x130: {  	[sflag:s13] =	ssyncadd.s32 $0xFFFFE000  }
0x131: {  	_ =	swait.ge [sflag:s13], $0x2000  }
0x132: {  	s25 =	rddreg [dreg:$0x4];
	[sflag:s13] =	ssyncset.done $0x0  }
0x133: {  	s26 =	rddreg [dreg:$0x5];
	[sflag:s13] =	ssyncadd.s32 $0xFFFFE000;
	s23 =	sadd.s32 s22, s25  }
0x134: {  	[hbm4b:s23+s2] =	stream.linear.scatter [tilespmem:s14], [sflag:$0x3], $0x2000, $0x38;
	[tilespmem:$0x15900] =	vst v63  }
0x135: {  	s28 =	rddreg [dreg:$0x6];
	s24 =	sadd.s32 s22, s26  }
0x136: {  	[hbm4b:s24+s2] =	stream.linear.scatter [tilespmem:s15], [sflag:$0x3], $0x2000, $0x38;
	[tilespmem:$0x15900] =	vst v63  }
0x137: {  	s29 =	rddreg [dreg:$0x7];
	s25 =	sadd.s32 s22, s28  }
0x138: {  	[hbm4b:s25+s2] =	stream.linear.scatter [tilespmem:s16], [sflag:$0x3], $0x2000, $0x38;
	[tilespmem:$0x15900] =	vst v63  }
0x139: {  	s30 =	rddreg [dreg:$0x8];
	s23 =	sadd.s32 s22, s29  }
0x13a: {  	[hbm4b:s23+s2] =	stream.linear.scatter [tilespmem:s17], [sflag:$0x3], $0x2000, $0x38;
	[tilespmem:$0x15900] =	vst v63  }
0x13b: {  	s31 =	sadd.s32 s22, s30  }
0x13c: {  	[hbm4b:s31+s2] =	stream.linear.scatter [tilespmem:s18], [sflag:$0x3], $0x2000, $0x38;
	[tilespmem:$0x15900] =	vst v63  }
0x13d: {  	_ =	swait.ge [sflag:s19], $0x2000  }
0x13e: {  	[sflag:s19] =	ssyncset.done $0x0  }
0x13f: {  	[sflag:s19] =	ssyncadd.s32 $0xFFFFE000  }
0x140: {  	_ =	swait.ge [sflag:s19], $0x2000  }
0x141: {  	[sflag:s19] =	ssyncset.done $0x0  }
0x142: {  	[sflag:s19] =	ssyncadd.s32 $0xFFFFE000  }
0x143: {  	_ =	swait.ge [sflag:s19], $0x2000  }
0x144: {  	[sflag:s19] =	ssyncset.done $0x0  }
0x145: {  	[sflag:s19] =	ssyncadd.s32 $0xFFFFE000  }
0x146: {  	_ =	swait.ge [sflag:s19], $0x2000  }
0x147: {  	[sflag:s19] =	ssyncset.done $0x0  }
0x148: {  	[sflag:s19] =	ssyncadd.s32 $0xFFFFE000  }
0x149: {  	_ =	swait.ge [sflag:s19], $0x2000  }
0x14a: {  	[sflag:s19] =	ssyncset.done $0x0  }
0x14b: {  	[sflag:s19] =	ssyncadd.s32 $0xFFFFE000  }
0x14c: {  	_ =	swait.ge [sflag:s20], $0x2000  }
0x14d: {  	[sflag:s20] =	ssyncset.done $0x0  }
0x14e: {  	[sflag:s20] =	ssyncadd.s32 $0xFFFFE000  }
0x14f: {  	_ =	swait.ge [sflag:s20], $0x2000  }
0x150: {  	[sflag:s20] =	ssyncset.done $0x0  }
0x151: {  	[sflag:s20] =	ssyncadd.s32 $0xFFFFE000  }
0x152: {  	_ =	swait.ge [sflag:s20], $0x2000  }
0x153: {  	[sflag:s20] =	ssyncset.done $0x0  }
0x154: {  	s21 =	sadd.s32 $0x1, s21;
	[sflag:s20] =	ssyncadd.s32 $0xFFFFE000  }
0x155: {  	p0 =	sne.s32 s21, s5;
	_ =	swait.ge [sflag:s20], $0x2000  }
.Ltmp1:
0x156: {  	[sflag:s20] =	ssyncset.done $0x0;
	(pc) =	sbr.rel @p0 .LBB2_1-.Ltmp1, $4  }
0x157: {  	[sflag:s20] =	ssyncadd.s32 $0xFFFFE000  }
0x158: {  	_ =	swait.ge [sflag:s20], $0x2000  }
0x159: {  	[sflag:s20] =	ssyncset.done $0x0  }
0x15a: {  	[sflag:s20] =	ssyncadd.s32 $0xFFFFE000  }
0x15b: {  	_ =	sfence.sel $0x180000  }
0x15c: {  	[bflag:$0x0] =	sbarrier.arrive $0xFFFF  }
0x15d: {  	p0 =	sne.s32 s0, $0x0;
	_ =	strace $0x90000047  }
0x15e: {  	s0 =	sadd.s32 @!p0 $0x100000, s1;
	[bflag:$0x2] =	sbarrier.arrive $0xFFFF  }
0x15f: {  	[sflag:s0] =	ssyncadd.tile.s32 @!p0 $0x1;
	_ =	shalt  }
.Lfunc_end2:
_tile_overlayer_lowered:
.L_overlay_start_2:
0x160: {  	(tag) =	ssettag $0x2  }
0x161: {  	s0 =	rddreg [dreg:$0x0];
	s2 =	stileid.u32  }
0x162: {  	s1 =	rddreg [dreg:$0x1];
	p0 =	sne.s32 s2, $0x0  }
0x163: {  	s3 =	rddreg [dreg:$0x2];
	[bflag:$0x3] =	sbarrier.arrive $0xFFFF;
	s2 =	simm.s32 @!p0 $0x1C04  }
0x164: {  	[timem:s3], [sflag:s2] =	dma.local @!p0 [hbm:s0], s1  }
0x165: {  	s0 =	simm.s32 @!p0 $0x4  }
0x166: {  	_ =	swait.ge @!p0 [sflag:s0], s1  }
0x167: {  	s1 =	ssub.s32 @!p0 $0x0, s1;
	[sflag:s0] =	ssyncset.done @!p0 $0x0  }
0x168: {  	[sflag:s0] =	ssyncadd.s32 @!p0 s1  }
0x169: {  	[bflag:$0x3] =	sbarrier.arrive $0xFFFF  }
0x16a: {  	_ =	shalt  }

// kernel: sparse-core-data-format-call.cloned.1.call-start
scs
called_computation_lowered:
.L_overlay_start_0:
0x0: {  	s2 =	sld [smem:$0x3FD9]  }
0x1: {  	s3 =	sld [smem:$0x3FFE];
	_ =	sdelay $0x1  }
0x2: {  	s1 =	srdreg.scid  }
0x3: {  	s0 =	sand.u32 $0x1, s1  }
0x4: {  	s15 =	sshll.u32 s0, $0xA;
	s2 =	sadd.s32 s3, s2  }
0x5: {  	s2 =	sadd.s32 s2, s15  }
0x6: {  	[smem:$0x3FC6] =	sst s2  }
0x7: {  	_ = 	snop  }
0x8: {  	s2 =	sld [smem:$0x3FD0];
	_ =	sdelay $0x2  }
0x9: {  	s16 =	simm.s32 $0xA;
	s4 =	simm.s32 $0x10  }
0xa: {  	[smem:s4], [sflag:s16] =	dma.local [hbm:s2], $0x1  }
0xb: {  	_ =	swait.eq [sflag:s16], $0x1  }
0xc: {  	[sflag:s16] =	ssyncset.done $0x0  }
0xd: {  	[sflag:s16] =	ssyncadd.s32 $0xFFFFFFFF  }
0xe: {  	s17 =	sld [smem:$0x10];
	(tm) =	ssettm $0x1  }
0xf: {  	s18 =	sld [smem:$0x3FFB];
	_ =	sdelay $0x3  }
0x10: {  	_ =	strace s18  }
0x11: {  	s3 =	sld [smem:$0x3FFC];
	_ =	sdelay $0x3  }
0x12: {  	_ =	strace s3  }
0x13: {  	s3 =	sld [smem:$0x3FFD];
	_ =	sdelay $0x3  }
0x14: {  	_ =	strace s3  }
0x15: {  	_ =	strace $0x8FFFFFFF  }
0x16: {  	s19 =	sld [smem:$0x3FDB];
	_ =	sdelay $0x1  }
0x17: {  	s20 =	simm.s32 $_scs_section_size  }
0x18: {  	s5 =	simm.s32 $_size__tile_overlayer_lowered;
	s6 =	simm.s32 $_tile_overlayer_lowered  }
0x19: {  	s23 =	simm.s32 $0x1BFF;
	s22 =	sshll.u32 s6, $0x1;
	s3 =	sadd.s32 s20, s19  }
0x1a: {  	s7 =	simm.s32 $0x0;
	s21 =	sshll.u32 s5, $0x1;
	s5 =	sadd.s32 s22, s3  }
0x1b: {  	[timem:s7], [sflag:s23] =	dma.local [hbm:s5], s21  }
0x1c: {  	_ =	swait.ge [sflag:s23], s21  }
0x1d: {  	s4 =	ssub.s32 $0x0, s21;
	[sflag:s23] =	ssyncset.done $0x0  }
0x1e: {  	[sflag:s23] =	ssyncadd.s32 s4;
	_ =	sdelay $0x1  }
0x1f: {  	s24 =	simm.s32 $0x1B8B  }
0x20: {  	_ =	swait.ge [sflag:s24], $0x1  }
0x21: {  	[sflag:s24] =	ssyncset.done $0x0  }
0x22: {  	s26 =	simm.s32 $0x1B8E;
	s25 =	sld [smem:$0x3FFE];
	[sflag:s24] =	ssyncadd.s32 $0xFFFFFFFF  }
0x23: {  	s27 =	simm.s32 $execute0_lowered;
	[smem:$0x3FD2] =	sst s26  }
0x24: {  	s5 =	sshll.u32 s27, $0x1;
	_ =	strace $0x80000049;
	[dreg:$0x1] =	wrdreg $0xFFFFFFFF  }
0x25: {  	s28 =	simm.s32 $_size_execute0_lowered;
	s3 =	sadd.s32 s3, s5;
	[dreg:$0x0] =	wrdreg $0x0  }
0x26: {  	s5 =	sshll.u32 s28, $0x1;
	[dreg:$0x2] =	wrdreg s3  }
0x27: {  	[dreg:$0x3] =	wrdreg s5  }
0x28: {  	[dreg:$0x4] =	wrdreg $0xC0  }
0x29: {  	_ =	task [dreg:s7], $0x5FFFF  }
0x2a: {  	[dreg:$0x1] =	wrdreg $0xFFFFFFFF  }
0x2b: {  	[dreg:$0x0] =	wrdreg $0x60  }
0x2c: {  	[dreg:$0x2] =	wrdreg s25  }
0x2d: {  	[dreg:$0x3] =	wrdreg s17  }
0x2e: {  	[dreg:$0x4] =	wrdreg $0x9  }
0x2f: {  	_ =	task.clear_ibuf [dreg:s7], $0x5FFFF;
	_ =	strace $0x90000049  }
0x30: {  	s29 =	simm.s32 $0x9;
	_ =	strace $0x8000004B  }
0x31: {  	_ =	swait.ge [sflag:s29], $0x1  }
0x32: {  	[sflag:s29] =	ssyncadd.s32 $0xFFFFFFFF  }
0x33: {  	_ =	strace $0x9000004B  }
0x34: {  	_ =	sfence  }
0x35: {  	s30 =	sld [smem:$0x0];
	_ =	sdelay $0x2  }
0x36: {  	s31 =	sshll.u32 s1, $0xD;
	s1 =	sshrl.u32 s1, $0x2  }
0x37: {  	s3 =	sand.u32 $0x4000, s31;
	s1 =	sadd.s32 s1, s30  }
0x38: {  	s0 =	sor.u32 s3, s0;
	s1 =	sshll.u32 s1, $0x11  }
0x39: {  	s0 =	sor.u32 s1, s0  }
0x3a: {  	s0 =	sadd.s32 $0x8F2B, s0  }
0x3b: {  	[sflag:s0] =	ssyncadd.remote.s32 $0x1  }
0x3c: {  	_ =	sfence.sel $0xFFFF  }
0x3d: {  	[dreg:$0x0] =	wrdreg $0xFFFFFFFF;
	(pc) =	sbr.abs _section_cstart, $3  }
0x3e: {  	[dreg:$0x1] =	wrdreg $0xFFFFFFFF  }
0x3f: {  	_ =	task.clear_ibuf [dreg:s7], $0x2FFFF;
	_ =	strace $0x9FFFFFFF  }
0x40: {  	(tm) =	ssettm $0x7FFFFFFF  }
0x41: {  	_ =	shalt  }
tec
execute0_lowered:
.L_overlay_start_1:
0x0: {  	(tag) =	ssettag $0x1  }
0x1: {  	s0 =	stileid.u32;
	s6 =	rddreg [dreg:$0x0]  }
0x2: {  	s2 =	rddreg [dreg:$0x1];
	s5 =	srdreg.scid  }
0x3: {  	s31 =	simm.s32 $0x2;
	s13 =	simm.s32 $0x0;
	s1 =	sshll.u32 s0, $0x7  }
0x4: {  	s14 =	simm.s32 $0x0;
	s12 =	simm.s32 $0x0;
	s3 =	sand.u32 $0x380, s1  }
0x5: {  	s5 =	sshll.u32 s5, $0x4;
	s6 =	sadd.s32 $0x4E2C00, s6;
	s4 =	ssub.s32 $0x400, s3  }
0x6: {  	s1 =	rddreg [dreg:$0x2];
	_ =	strace $0x8000004A;
	s7 =	sand.u32 $0x380, s4  }
0x7: {  	s5 =	sand.u32 $0x10, s5;
	p0 =	sne.s32 s7, $0x0;
	s7 =	simm.s32 $0x1  }
.Ltmp0:
0x8: {  	s8 =	sshrl.u32 s4, $0xA;
	s7 =	simm.s32 @!p0 $0x0;
	(pc) =	sbr.rel .LBB1_1-.Ltmp0, $4  }
0x9: {  	s9 =	sor.u32 s0, s5;
	s4 =	simm.s32 $0x1;
	s30 =	sadd.s32 s7, s8  }
0xa: {  	s11 =	smov.u32 s3;
	[sflag:s4] =	ssyncpa.u1 $0x0;
	s5 =	smul.u32 $0x32, s30  }
0xb: {  	[sflag:s31] =	ssyncpa.u1 $0x0;
	p0 =	por $0x0, $0x0;
	s7 =	sshrl.u32 s9, $0x3  }
0xc: {  	s9 =	simm.s32 $0x2000;
	s10 =	smov.u32 s7;
	s8 =	sor.u32 $0x1, s5  }
.LBB1_4:
0xd: {  	s17 =	sand.u32 $0x1F80, s14;
	s13 =	sshll.u32 s13, $0xD  }
0xe: {  	[tilespmem:s16+$0x810 ss:$0x81] =	vst.msk $0xffff, v2;
	s18 =	sshrl.u32 s14, $0x3;
	s31 =	sand.u32 $0x7, s14;
	s17 =	sadd.s32 s2, s17  }
0xf: {  	[tilespmem:s16+$0x1020 ss:$0x81] =	vst.msk $0xffff, v0;
	s18 =	sand.u32 $0xF, s18;
	s14 =	sshll.u32 s31, $0x12;
	s13 =	sadd.s32 s13, s17  }
0x10: {  	[tilespmem:s16+$0x0 ss:$0x81] =	vst.msk $0xffff, v1;
	s14 =	sor.u32 $0x400, s14;
	s13 =	sadd.s32 s18, s13  }
0x11: {  	[hbm4b:s13+s14] =	stream.strided.scatter [tilespmem:s15], [sflag:$0x2], $0x2000, s9, s14, $0x20;
	[tilespmem:$0x8080] =	vst v63  }
.LBB1_5:
0x12: {  	s15 =	sadd.s32 $0x4, s10  }
0x13: {  	s13 =	sadd.s32 $0x400, s11;
	s17 =	smov.u32 s11;
	p2 =	sgt.s32 s15, $0xC7  }
0x14: {  	s17 =	smov.u32 @p2 s13  }
0x15: {  	s15 =	smov.u32 @p2 s7;
	p2 =	sgt.s32 s17, $0x3FF  }
0x16: {  	s17 =	smov.u32 @p2 s3;
	p2 =	sne.s32 s12, s8  }
.Ltmp1:
0x17: {  	p1 =	slt.u32 s12, $0x2;
	(pc) =	sbr.rel @!p2 .LBB1_6-.Ltmp1, $4  }
0x18: {  	s16 =	simm.s32 @!p1 $0x2  }
0x19: {  	s14 =	smov.u32 s11;
	p0 =	por !p0, !p0;
	_ =	swait.ge @!p1 [sflag:s16], $0x2000  }
0x1a: {  	s13 =	smov.u32 s10;
	[sflag:s16] =	ssyncset.done @!p1 $0x0;
	s10 =	smov.u32 s15  }
0x1b: {  	s12 =	sadd.s32 $0x1, s12;
	[sflag:s16] =	ssyncadd.s32 @!p1 $0xFFFFE000;
	s11 =	smov.u32 s17  }
.LBB1_1:
0x1c: {  	p1 =	sge.u32 s12, s5  }
0x1d: {  	s15 =	sand.u32 @!p1 $0x1FFFFFF, s10  }
0x1e: {  	s16 =	smulhi.u32 @!p1 $0x147AE15, s15;
	_ =	sdelay $0x1  }
0x1f: {  	s16 =	smul.u32 @!p1 $0xC8, s16  }
0x20: {  	s17 =	sxor.u32 @!p1 $0xFFFFFFFF, s12;
	s18 =	smul.u32 @!p1 $0xC80, s11  }
0x21: {  	s31 =	sadd.s32 $0xFFFFFFFF, s12;
	s17 =	sshll.u32 @!p1 s17, $0xD;
	s15 =	ssub.s32 @!p1 s15, s16  }
0x22: {  	s16 =	sand.u32 @!p1 $0x2000, s17;
	s17 =	sadd.s32 @!p1 s6, s18;
	s15 =	sshll.u32 @!p1 s15, $0x4  }
0x23: {  	s18 =	simm.s32 @!p1 $0x6400;
	s15 =	sadd.s32 @!p1 s15, s17;
	s17 =	simm.s32 @!p1 $0x40  }
0x24: {  	[tilespmem:s16], [sflag:$0x1] =	stream.strided.gather @!p1 [hbm4b:s15+s17], $0x2000, s18, s17, $0x38;
	[tilespmem:$0x8080] =	vst v63  }
0x25: {  	p1 =	sge.u32 s31, s5  }
.Ltmp2:
0x26: {  	_ = 	snop;
	(pc) =	sbr.rel @p1 .LBB1_5-.Ltmp2, $1  }
0x27: {  	_ =	sdelay $0x3  }
0x28: {  	s15 =	simm.s32 $0x1  }
0x29: {  	_ =	swait.ge [sflag:s4], $0x2000;
	s15 =	simm.s32 @!p0 $0x0  }
0x2a: {  	[sflag:s4] =	ssyncset.done $0x0;
	s16 =	sshll.u32 s15, $0xD  }
0x2b: {  	[sflag:s4] =	ssyncadd.s32 $0xFFFFE000;
	s19 =	sor.u32 $0x20, s16  }
0x2c: {  	s15 =	smul.u32 $0x8100, s15;
	v3 =	vld [tilespmem:s19+$0x10]  }
0x2d: {  	s30 =	sand.u32 $0x1, s12;
	v2 =	vld [tilespmem:s19+$0xFFFFFFF0]  }
0x2e: {  	s16 =	smul.u32 $0x8100, s30;
	s15 =	sshrl.u32 s15, $0x2;
	v0 =	vld [tilespmem:s19+$0x0]  }
0x2f: {  	v1 =	vld [tilespmem:s19+$0xFFFFFFE0];
	s17 =	sor.u32 $0x4000, s15  }
0x30: {  	s31 =	sshrl.u32 s16, $0x2;
	s16 =	sadd.s32 $0x0, s17  }
0x31: {  	s18 =	simm.s32 $0x4;
	s19 =	sadd.s32 $0x40, s19;
	s15 =	sor.u32 $0x4000, s31;
	[tilespmem:s16+$0x1830 ss:$0x81] =	vst.msk $0xffff, v3  }
.LBB1_3:
0x32: {  	v3 =	vld [tilespmem:s19+$0x10];
	p1 =	sne.s32 s18, $0x1FC;
	[tilespmem:s16+$0x810 ss:$0x81] =	vst.msk $0xffff, v2;
	s20 =	smov.u32 s18;
	s18 =	sadd.s32 $0x4, s18  }
.Ltmp3:
0x33: {  	v2 =	vld [tilespmem:s19+$0xFFFFFFF0];
	[tilespmem:s16+$0x1020 ss:$0x81] =	vst.msk $0xffff, v0;
	(pc) =	sbr.rel @p1 .LBB1_3-.Ltmp3, $4  }
0x34: {  	v0 =	vld [tilespmem:s19+$0x0];
	[tilespmem:s16+$0x0 ss:$0x81] =	vst.msk $0xffff, v1  }
0x35: {  	s16 =	sshra.s32 s20, $0x2;
	v1 =	vld [tilespmem:s19+$0xFFFFFFE0]  }
0x36: {  	s16 =	sadd.s32 s16, s17  }
0x37: {  	s19 =	sadd.s32 $0x40, s19;
	[tilespmem:s16+$0x1830 ss:$0x81] =	vst.msk $0xffff, v3  }
.Ltmp4:
0x38: {  	_ = 	snop;
	(pc) =	sbr.rel .LBB1_4-.Ltmp4, $1  }
0x39: {  	_ =	sdelay $0x3  }
.LBB1_6:
0x3a: {  	_ =	sfence.sel $0x180000  }
0x3b: {  	s2 =	simm.s32 $0x1;
	[bflag:$0x0] =	sbarrier.arrive $0xFFFF  }
0x3c: {  	s31 =	simm.s32 $0x2;
	[sflag:s2] =	ssyncpa.u1 $0x1  }
0x3d: {  	[sflag:s31] =	ssyncpa.u1 $0x1  }
0x3e: {  	p0 =	sne.s32 s0, $0x0;
	_ =	strace $0x9000004A  }
0x3f: {  	s0 =	sadd.s32 @!p0 $0x100000, s1;
	[bflag:$0x2] =	sbarrier.arrive $0xFFFF  }
0x40: {  	[sflag:s0] =	ssyncadd.tile.s32 @!p0 $0x1;
	_ =	shalt  }
.Lfunc_end1:
_tile_overlayer_lowered:
.L_overlay_start_2:
0x41: {  	(tag) =	ssettag $0x2  }
0x42: {  	s0 =	rddreg [dreg:$0x0];
	s2 =	stileid.u32  }
0x43: {  	s1 =	rddreg [dreg:$0x1];
	p0 =	sne.s32 s2, $0x0  }
0x44: {  	s3 =	rddreg [dreg:$0x2];
	[bflag:$0x3] =	sbarrier.arrive $0xFFFF;
	s2 =	simm.s32 @!p0 $0x1C01  }
0x45: {  	[timem:s3], [sflag:s2] =	dma.local @!p0 [hbm:s0], s1  }
0x46: {  	s0 =	simm.s32 @!p0 $0x1  }
0x47: {  	_ =	swait.ge @!p0 [sflag:s0], s1  }
0x48: {  	s1 =	ssub.s32 @!p0 $0x0, s1;
	[sflag:s0] =	ssyncset.done @!p0 $0x0  }
0x49: {  	[sflag:s0] =	ssyncadd.s32 @!p0 s1  }
0x4a: {  	[bflag:$0x3] =	sbarrier.arrive $0xFFFF  }
0x4b: {  	_ =	shalt  }

</sc_bundles>
